<compile_context>
chip_gen: v7x
topology: tpu7x:2x2x1
jax: 0.10.2.dev20260603
libtpu: 0.0.44.dev20260713+nightly
codegen_flags: <defaults>
</compile_context>

<pallas_src>
import functools

import jax
import jax.numpy as jnp
from jax import lax
from jax.experimental import pallas as pl
from jax.experimental.pallas import tpu as pltpu
from jax.experimental.pallas import tpu_sc as plsc

B, N, D, S = 8, 8192, 512, 512
H = 256
BLK_N = 4096
NB = N // BLK_N
CH = 4096
EPS = 1e-5


def _rne16(x):
    u = lax.bitcast_convert_type(x, jnp.uint32)
    u = (u + jnp.uint32(0x7FFF) + ((u >> jnp.uint32(16)) & jnp.uint32(1))) \
        & jnp.uint32(0xFFFF0000)
    return lax.bitcast_convert_type(u, jnp.float32)


def _tc_body(feat_ref, xyz_ref,
             w1_ref, b1_ref, g1_ref, be1_ref, m1_ref, v1_ref,
             w2_ref, b2_ref, g2_ref, be2_ref, m2_ref, v2_ref,
             w3_ref, b3_ref, g3_ref, be3_ref, m3_ref, v3_ref,
             w4x_ref, w4y_ref, w4z_ref, b4x_ref, b4y_ref, b4z_ref,
             idx_ref, fmax_ref, p_ref, bestd_ref, besti_ref):
    b = pl.program_id(0)
    nb = pl.program_id(1)
    acc = pl.ds(b % 2, 1)

    @pl.when(b < B)
    def _():
        blk = jnp.max(feat_ref[0], axis=0, keepdims=True)

        @pl.when(nb == 0)
        def _():
            fmax_ref[acc, :] = blk

        @pl.when(nb != 0)
        def _():
            fmax_ref[acc, :] = jnp.maximum(fmax_ref[acc, :], blk)

    @pl.when((b > 0) & (nb == 0))
    def _():
        b16 = lambda x: x.astype(jnp.bfloat16)
        r16 = lambda x: x.astype(jnp.bfloat16).astype(jnp.float32)

        def lin_bn_relu(x, w_ref, b_ref, g_ref, be_ref, m_ref, v_ref):
            t = jnp.dot(b16(x), b16(w_ref[...]),
                        preferred_element_type=jnp.float32) + b_ref[...]
            t = (t - m_ref[...]) / jnp.sqrt(v_ref[...] + EPS) * g_ref[...] \
                + be_ref[...]
            return jnp.maximum(t, 0.0)

        f = fmax_ref[pl.ds((b + 1) % 2, 1), :]
        h = lin_bn_relu(f, w1_ref, b1_ref, g1_ref, be1_ref, m1_ref, v1_ref)
        h = lin_bn_relu(h, w2_ref, b2_ref, g2_ref, be2_ref, m2_ref, v2_ref)
        h = lin_bn_relu(h, w3_ref, b3_ref, g3_ref, be3_ref, m3_ref, v3_ref)
        h = b16(h)
        px = jnp.dot(h, b16(w4x_ref[...]),
                     preferred_element_type=jnp.float32) + b4x_ref[...]
        py = jnp.dot(h, b16(w4y_ref[...]),
                     preferred_element_type=jnp.float32) + b4y_ref[...]
        pz = jnp.dot(h, b16(w4z_ref[...]),
                     preferred_element_type=jnp.float32) + b4z_ref[...]
        psq = px * px + py * py + pz * pz
        px16, py16, pz16 = r16(px), r16(py), r16(pz)
        rI = lax.broadcasted_iota(jnp.int32, (S, S), 0)
        cI = lax.broadcasted_iota(jnp.int32, (S, S), 1)
        eye = rI == cI

        def tocol(rowv):
            return jnp.sum(jnp.where(eye, rowv, 0.0), axis=1, keepdims=True)

        p_ref[:, 0:1] = tocol(px16 + px16)
        p_ref[:, 1:2] = tocol(py16 + py16)
        p_ref[:, 2:3] = tocol(pz16 + pz16)
        p_ref[:, 3:4] = tocol(psq)

    @pl.when(b > 0)
    def _():
        c = nb
        xs = xyz_ref[0, 0:1, pl.ds(c * CH, CH)]
        ys = xyz_ref[0, 1:2, pl.ds(c * CH, CH)]
        zs = xyz_ref[0, 2:3, pl.ds(c * CH, CH)]
        nn = xs * xs + ys * ys + zs * zs
        xs16, ys16, zs16 = _rne16(xs), _rne16(ys), _rne16(zs)
        px2 = p_ref[:, 0:1]
        py2 = p_ref[:, 1:2]
        pz2 = p_ref[:, 2:3]
        psq = p_ref[:, 3:4]
        dot2 = px2 * xs16 + py2 * ys16 + pz2 * zs16
        v = (psq + nn) - dot2
        cmin = jnp.min(v, axis=1, keepdims=True)
        ii = lax.broadcasted_iota(jnp.int32, (S, CH), 1)
        cidx = jnp.min(jnp.where(v == cmin, ii, N),
                       axis=1, keepdims=True) + c * CH

        @pl.when(nb == 0)
        def _():
            bestd_ref[...] = cmin
            besti_ref[...] = cidx

        @pl.when(nb != 0)
        def _():
            better = cmin < bestd_ref[...]
            bestd_ref[...] = jnp.where(better, cmin, bestd_ref[...])
            besti_ref[...] = jnp.where(better, cidx, besti_ref[...])

        @pl.when(nb == NB - 1)
        def _():
            idx_ref[0] = besti_ref[...]


@functools.cache
def _make_sc_gather():
    mesh = plsc.VectorSubcoreMesh(core_axis_name="c", subcore_axis_name="s")

    @functools.partial(
        pl.kernel,
        out_type=jax.ShapeDtypeStruct((B * 3 * S,), jnp.float32),
        mesh=mesh,
        compiler_params=pltpu.CompilerParams(needs_layout_passes=False),
        scratch_types=[
            pltpu.VMEM((N,), jnp.float32),
            pltpu.VMEM((128,), jnp.int32),
            pltpu.VMEM((128,), jnp.float32),
        ],
    )
    def _sc_gather(xyzt_hbm, idx_hbm, out_hbm, plane_v, idx_v, out_v):
        wid = lax.axis_index("s") * 2 + lax.axis_index("c")
        b = wid // 4
        q0 = (wid % 4) * 128
        pltpu.sync_copy(idx_hbm.at[pl.ds(b * S + q0, 128)], idx_v)
        for c in range(3):
            pltpu.sync_copy(xyzt_hbm.at[pl.ds((b * 3 + c) * N, N)], plane_v)
            for j in range(8):
                iv = idx_v[pl.ds(j * 16, 16)]
                out_v[pl.ds(j * 16, 16)] = plsc.load_gather(plane_v, [iv])
            pltpu.sync_copy(out_v, out_hbm.at[pl.ds((b * 3 + c) * S + q0, 128)])

    return _sc_gather


def _tc_call(feat, xyz, *mlp_args):
    full = lambda shape: pl.BlockSpec(shape, lambda b_, n_: tuple(0 for _ in shape))
    return pl.pallas_call(
        _tc_body,
        grid=(B + 1, NB),
        in_specs=[
            pl.BlockSpec((1, BLK_N, D),
                         lambda b_, n_: (jnp.minimum(b_, B - 1), n_, 0)),
            pl.BlockSpec((1, 3, N),
                         lambda b_, n_: (jnp.maximum(b_ - 1, 0), 0, 0)),
            full((D, H)), full((1, H)), full((1, H)), full((1, H)),
            full((1, H)), full((1, H)),
            full((H, H)), full((1, H)), full((1, H)), full((1, H)),
            full((1, H)), full((1, H)),
            full((H, H)), full((1, H)), full((1, H)), full((1, H)),
            full((1, H)), full((1, H)),
            full((H, S)), full((H, S)), full((H, S)),
            full((1, S)), full((1, S)), full((1, S)),
        ],
        out_specs=pl.BlockSpec((1, S, 1),
                               lambda b_, n_: (jnp.maximum(b_ - 1, 0), 0, 0)),
        out_shape=jax.ShapeDtypeStruct((B, S, 1), jnp.int32),
        scratch_shapes=[pltpu.VMEM((2, D), jnp.float32),
                        pltpu.VMEM((S, 4), jnp.float32),
                        pltpu.VMEM((S, 1), jnp.float32),
                        pltpu.VMEM((S, 1), jnp.int32)],
        compiler_params=pltpu.CompilerParams(
            dimension_semantics=("arbitrary", "arbitrary")),
    )(feat, xyz, *mlp_args)


def kernel(xyz, feat, W1, b1, g1, be1, m1, v1, W2, b2, g2, be2, m2, v2,
           W3, b3, g3, be3, m3, v3, W4, b4):
    row = lambda x: x[None, :]
    W4r = W4.reshape(S, 3, H)
    b4r = b4.reshape(S, 3)

    xyzt = jnp.transpose(xyz, (0, 2, 1))
    idx = _tc_call(
        feat, xyzt,
        W1.T, row(b1), row(g1), row(be1), row(m1), row(v1),
        W2.T, row(b2), row(g2), row(be2), row(m2), row(v2),
        W3.T, row(b3), row(g3), row(be3), row(m3), row(v3),
        W4r[:, 0, :].T, W4r[:, 1, :].T, W4r[:, 2, :].T,
        row(b4r[:, 0]), row(b4r[:, 1]), row(b4r[:, 2]))

    xyzt_flat = xyzt.reshape(B * 3 * N)
    pnn_flat = _make_sc_gather()(xyzt_flat, idx.reshape(B * S))
    p1_nn = pnn_flat.reshape(B, 3, S).transpose(0, 2, 1)
    return (p1_nn, 0.0)

# --- scband reference (transcript-rebuilt; emitter-appended) ---
"""Pipeline reference for scband-contact-point-sampler-36653250904787 (READ-ONLY COPY).

The authoritative reference and input builder live on the scoring server;
editing this copy changes nothing except your own understanding.
"""

import jax, jax.numpy as jnp
import numpy as np

EPS = 1e-5

def _bn_eval(x, g, b, m, v):
    return (x - m) / jnp.sqrt(v + EPS) * g + b

def _lin_params(k, fan_in, fan_out):
    bound = 1.0 / np.sqrt(fan_in)
    kw, kb = jax.random.split(k)
    W = jax.random.uniform(kw, (fan_out, fan_in), minval=-bound, maxval=bound, dtype=jnp.float32)
    b = jax.random.uniform(kb, (fan_out,), minval=-bound, maxval=bound, dtype=jnp.float32)
    return W, b

def setup_inputs(seed: int = 0) -> dict:
    key = jax.random.key(seed)
    ks = jax.random.split(key, 8)
    B, N, D, S = 8, 8192, 512, 512
    xyz = jax.random.normal(ks[0], (B, N, 3), dtype=jnp.float32)
    feat = jax.random.normal(ks[1], (B, N, D), dtype=jnp.float32)
    W1, b1 = _lin_params(ks[2], D, 256)
    W2, b2 = _lin_params(ks[3], 256, 256)
    W3, b3 = _lin_params(ks[4], 256, 256)
    W4, b4 = _lin_params(ks[5], 256, 3 * S)
    ones = jnp.ones((256,), jnp.float32)
    zeros = jnp.zeros((256,), jnp.float32)
    return {
        "xyz": xyz, "feat": feat,
        "W1": W1, "b1": b1, "g1": ones, "be1": zeros, "m1": zeros, "v1": ones,
        "W2": W2, "b2": b2, "g2": ones, "be2": zeros, "m2": zeros, "v2": ones,
        "W3": W3, "b3": b3, "g3": ones, "be3": zeros, "m3": zeros, "v3": ones,
        "W4": W4, "b4": b4,
    }

def reference(xyz, feat, W1, b1, g1, be1, m1, v1, W2, b2, g2, be2, m2, v2, W3, b3, g3, be3, m3, v3, W4, b4):
    # feat = torch.max(feat, dim=1)[0]
    f = jnp.max(feat, axis=1)
    h = jnp.maximum(_bn_eval(f @ W1.T + b1, g1, be1, m1, v1), 0.0)
    h = jnp.maximum(_bn_eval(h @ W2.T + b2, g2, be2, m2, v2), 0.0)
    h = jnp.maximum(_bn_eval(h @ W3.T + b3, g3, be3, m3, v3), 0.0)
    S = b4.shape[0] // 3
    p1 = (h @ W4.T + b4).reshape(-1, S, 3)
    # eval-mode path: knn_points(p1, xyz, K=1) -> nearest xyz point for each predicted contact point
    d = (jnp.sum(p1 ** 2, axis=-1)[:, :, None]
         + jnp.sum(xyz ** 2, axis=-1)[:, None, :]
         - 2.0 * jnp.einsum('bsd,bnd->bsn', p1, xyz))
    idx = jnp.argmin(d, axis=-1)  # [B, S]
    p1_nn = jnp.take_along_axis(xyz, idx[..., None], axis=1)  # [B, S, 3]
    temp = 0.0
    return (p1_nn, temp)

if __name__ == "__main__":
    import jax
    _d = setup_inputs()
    print(jax.jit(kernel)(*tuple(_d.values())))

</pallas_src>

<mosaic_0001>
#map = affine_map<(d0, d1) -> (0)>
module attributes {stable_mosaic.version = 14 : i64} {
  func.func @_sc_gather(%arg0: i32, %arg1: i32, %arg2: memref<196608xf32, #tpu.memory_space<hbm>>, %arg3: memref<4096xi32, #tpu.memory_space<hbm>>, %arg4: memref<12288xf32, #tpu.memory_space<hbm>>, %arg5: memref<8192xf32, #tpu.memory_space<vmem>>, %arg6: memref<128xi32, #tpu.memory_space<vmem>>, %arg7: memref<128xf32, #tpu.memory_space<vmem>>) attributes {dimension_semantics = [#tpu.dimension_semantics<core_parallel>, #tpu.dimension_semantics<subcore_parallel>], iteration_bounds = array<i64: 2, 16>, scalar_prefetch = 0 : i64, scratch_operands = 3 : i64, tpu.core_type = #tpu.core_type<sc_vector_subcore>, window_params = [{transform_indices = #map}, {transform_indices = #map}, {transform_indices = #map}]} {
    %mul3A = arith.constant 2 : i32
    %mul3A_0 = arith.muli %arg1, %mul3A : i32
    %add3A = arith.addi %mul3A_0, %arg0 : i32
    %jit3A = arith.constant 4 : i32
    %div3A = arith.divsi %add3A, %jit3A : i32
    %sign3A = arith.constant 0 : i32
    %sign3A_1 = arith.cmpi sgt, %add3A, %sign3A : i32
    %sign3A_2 = arith.extui %sign3A_1 : i1 to i32
    %sign3A_3 = arith.constant 0 : i32
    %sign3A_4 = arith.cmpi slt, %add3A, %sign3A_3 : i32
    %sign3A_5 = arith.extui %sign3A_4 : i1 to i32
    %sign3A_6 = arith.subi %sign3A_2, %sign3A_5 : i32
    %sign3A_7 = arith.constant 0 : i32
    %sign3A_8 = arith.cmpi sgt, %jit3A, %sign3A_7 : i32
    %sign3A_9 = arith.extui %sign3A_8 : i1 to i32
    %sign3A_10 = arith.constant 0 : i32
    %sign3A_11 = arith.cmpi slt, %jit3A, %sign3A_10 : i32
    %sign3A_12 = arith.extui %sign3A_11 : i1 to i32
    %sign3A_13 = arith.subi %sign3A_9, %sign3A_12 : i32
    %ne3A = arith.cmpi ne, %sign3A_6, %sign3A_13 : i32
    %rem3A = arith.remsi %add3A, %jit3A : i32
    %ne3A_14 = arith.constant 0 : i32
    %ne3A_15 = arith.cmpi ne, %rem3A, %ne3A_14 : i32
    %and3A = arith.andi %ne3A, %ne3A_15 : i1
    %sub3A = arith.constant 1 : i32
    %sub3A_16 = arith.subi %div3A, %sub3A : i32
    %select_n3A = arith.select %and3A, %sub3A_16, %div3A : i32
    %jit3A_17 = arith.constant 4 : i32
    %eq3A = arith.constant 0 : i32
    %eq3A_18 = arith.cmpi eq, %jit3A_17, %eq3A : i32
    %jit3A_19 = arith.constant 1 : i32
    %select_n3A_20 = arith.select %eq3A_18, %jit3A_19, %jit3A_17 : i32
    %rem3A_21 = arith.remsi %add3A, %select_n3A_20 : i32
    %ne3A_22 = arith.constant 0 : i32
    %ne3A_23 = arith.cmpi ne, %rem3A_21, %ne3A_22 : i32
    %lt3A = arith.constant 0 : i32
    %lt3A_24 = arith.cmpi slt, %rem3A_21, %lt3A : i32
    %lt3A_25 = arith.constant 0 : i32
    %lt3A_26 = arith.cmpi slt, %select_n3A_20, %lt3A_25 : i32
    %ne3A_27 = arith.xori %lt3A_24, %lt3A_26 : i1
    %and3A_28 = arith.andi %ne3A_27, %ne3A_23 : i1
    %add3A_29 = arith.addi %rem3A_21, %select_n3A_20 : i32
    %select_n3A_30 = arith.select %and3A_28, %add3A_29, %rem3A_21 : i32
    %mul3A_31 = arith.constant 128 : i32
    %mul3A_32 = arith.muli %select_n3A_30, %mul3A_31 : i32
    %mul3A_33 = arith.constant 512 : i32
    %mul3A_34 = arith.muli %select_n3A, %mul3A_33 : i32
    %add3A_35 = arith.addi %mul3A_34, %mul3A_32 : i32
    "tpu.region"() ({
      %run_scoped3A = tpu.sem_alloc : memref<!tpu.dma_semaphore, #tpu.memory_space<semaphore_mem>>
      %dma_start3A = tpu.memref_slice %arg3[%add3A_35] : memref<4096xi32, #tpu.memory_space<hbm>> -> memref<128xi32, #tpu.memory_space<hbm>>
      %dma_start3A_192 = tpu.memref_slice %arg3[%add3A_35] : memref<4096xi32, #tpu.memory_space<hbm>> -> memref<128xi32, #tpu.memory_space<hbm>>
      tpu.enqueue_dma source(%dma_start3A_192 : memref<128xi32, #tpu.memory_space<hbm>>) target(%arg6 : memref<128xi32, #tpu.memory_space<vmem>>) target_semaphore(%run_scoped3A : memref<!tpu.dma_semaphore, #tpu.memory_space<semaphore_mem>>)
      %dma_wait3A = tpu.memref_slice %arg3[%add3A_35] : memref<4096xi32, #tpu.memory_space<hbm>> -> memref<128xi32, #tpu.memory_space<hbm>>
      %dma_wait3A_193 = tpu.memref_slice %arg3[%add3A_35] : memref<4096xi32, #tpu.memory_space<hbm>> -> memref<128xi32, #tpu.memory_space<hbm>>
      tpu.wait_dma2 semaphore(%run_scoped3A : memref<!tpu.dma_semaphore, #tpu.memory_space<semaphore_mem>>) src(%dma_wait3A_193 : memref<128xi32, #tpu.memory_space<hbm>>) dst(%arg6 : memref<128xi32, #tpu.memory_space<vmem>>)
      tpu.yield
    }) : () -> ()
    %mul3A_36 = arith.constant 3 : i32
    %mul3A_37 = arith.muli %select_n3A, %mul3A_36 : i32
    %add3A_38 = arith.constant 0 : i32
    %add3A_39 = arith.addi %mul3A_37, %add3A_38 : i32
    %mul3A_40 = arith.constant 8192 : i32
    %mul3A_41 = arith.muli %add3A_39, %mul3A_40 : i32
    "tpu.region"() ({
      %run_scoped3A = tpu.sem_alloc : memref<!tpu.dma_semaphore, #tpu.memory_space<semaphore_mem>>
      %dma_start3A = tpu.memref_slice %arg2[%mul3A_41] : memref<196608xf32, #tpu.memory_space<hbm>> -> memref<8192xf32, #tpu.memory_space<hbm>>
      %dma_start3A_192 = tpu.memref_slice %arg2[%mul3A_41] : memref<196608xf32, #tpu.memory_space<hbm>> -> memref<8192xf32, #tpu.memory_space<hbm>>
      tpu.enqueue_dma source(%dma_start3A_192 : memref<8192xf32, #tpu.memory_space<hbm>>) target(%arg5 : memref<8192xf32, #tpu.memory_space<vmem>>) target_semaphore(%run_scoped3A : memref<!tpu.dma_semaphore, #tpu.memory_space<semaphore_mem>>)
      %dma_wait3A = tpu.memref_slice %arg2[%mul3A_41] : memref<196608xf32, #tpu.memory_space<hbm>> -> memref<8192xf32, #tpu.memory_space<hbm>>
      %dma_wait3A_193 = tpu.memref_slice %arg2[%mul3A_41] : memref<196608xf32, #tpu.memory_space<hbm>> -> memref<8192xf32, #tpu.memory_space<hbm>>
      tpu.wait_dma2 semaphore(%run_scoped3A : memref<!tpu.dma_semaphore, #tpu.memory_space<semaphore_mem>>) src(%dma_wait3A_193 : memref<8192xf32, #tpu.memory_space<hbm>>) dst(%arg5 : memref<8192xf32, #tpu.memory_space<vmem>>)
      tpu.yield
    }) : () -> ()
    %get3A = arith.constant 0 : index
    %get3A_42 = tpu.vector_load %arg6[%get3A] {strides = array<i32>} : memref<128xi32, #tpu.memory_space<vmem>>, vector<16xi32>,
    %gather3A = tpu.vector_load_idx %arg5[%get3A_42] : memref<8192xf32, #tpu.memory_space<vmem>>[vector<16xi32>], vector<16xf32>,
    %swap3A = arith.constant 0 : index
    %swap3A_43 = tpu.vector_load %arg7[%swap3A] {strides = array<i32>} : memref<128xf32, #tpu.memory_space<vmem>>, vector<16xf32>,
    tpu.vector_store %arg7[%swap3A], %gather3A {strides = array<i32>} : memref<128xf32, #tpu.memory_space<vmem>>, vector<16xf32>,
    %get3A_44 = arith.constant 16 : index
    %get3A_45 = tpu.vector_load %arg6[%get3A_44] {strides = array<i32>} : memref<128xi32, #tpu.memory_space<vmem>>, vector<16xi32>,
    %gather3A_46 = tpu.vector_load_idx %arg5[%get3A_45] : memref<8192xf32, #tpu.memory_space<vmem>>[vector<16xi32>], vector<16xf32>,
    %swap3A_47 = arith.constant 16 : index
    %swap3A_48 = tpu.vector_load %arg7[%swap3A_47] {strides = array<i32>} : memref<128xf32, #tpu.memory_space<vmem>>, vector<16xf32>,
    tpu.vector_store %arg7[%swap3A_47], %gather3A_46 {strides = array<i32>} : memref<128xf32, #tpu.memory_space<vmem>>, vector<16xf32>,
    %get3A_49 = arith.constant 32 : index
    %get3A_50 = tpu.vector_load %arg6[%get3A_49] {strides = array<i32>} : memref<128xi32, #tpu.memory_space<vmem>>, vector<16xi32>,
    %gather3A_51 = tpu.vector_load_idx %arg5[%get3A_50] : memref<8192xf32, #tpu.memory_space<vmem>>[vector<16xi32>], vector<16xf32>,
    %swap3A_52 = arith.constant 32 : index
    %swap3A_53 = tpu.vector_load %arg7[%swap3A_52] {strides = array<i32>} : memref<128xf32, #tpu.memory_space<vmem>>, vector<16xf32>,
    tpu.vector_store %arg7[%swap3A_52], %gather3A_51 {strides = array<i32>} : memref<128xf32, #tpu.memory_space<vmem>>, vector<16xf32>,
    %get3A_54 = arith.constant 48 : index
    %get3A_55 = tpu.vector_load %arg6[%get3A_54] {strides = array<i32>} : memref<128xi32, #tpu.memory_space<vmem>>, vector<16xi32>,
    %gather3A_56 = tpu.vector_load_idx %arg5[%get3A_55] : memref<8192xf32, #tpu.memory_space<vmem>>[vector<16xi32>], vector<16xf32>,
    %swap3A_57 = arith.constant 48 : index
    %swap3A_58 = tpu.vector_load %arg7[%swap3A_57] {strides = array<i32>} : memref<128xf32, #tpu.memory_space<vmem>>, vector<16xf32>,
    tpu.vector_store %arg7[%swap3A_57], %gather3A_56 {strides = array<i32>} : memref<128xf32, #tpu.memory_space<vmem>>, vector<16xf32>,
    %get3A_59 = arith.constant 64 : index
    %get3A_60 = tpu.vector_load %arg6[%get3A_59] {strides = array<i32>} : memref<128xi32, #tpu.memory_space<vmem>>, vector<16xi32>,
    %gather3A_61 = tpu.vector_load_idx %arg5[%get3A_60] : memref<8192xf32, #tpu.memory_space<vmem>>[vector<16xi32>], vector<16xf32>,
    %swap3A_62 = arith.constant 64 : index
    %swap3A_63 = tpu.vector_load %arg7[%swap3A_62] {strides = array<i32>} : memref<128xf32, #tpu.memory_space<vmem>>, vector<16xf32>,
    tpu.vector_store %arg7[%swap3A_62], %gather3A_61 {strides = array<i32>} : memref<128xf32, #tpu.memory_space<vmem>>, vector<16xf32>,
    %get3A_64 = arith.constant 80 : index
    %get3A_65 = tpu.vector_load %arg6[%get3A_64] {strides = array<i32>} : memref<128xi32, #tpu.memory_space<vmem>>, vector<16xi32>,
    %gather3A_66 = tpu.vector_load_idx %arg5[%get3A_65] : memref<8192xf32, #tpu.memory_space<vmem>>[vector<16xi32>], vector<16xf32>,
    %swap3A_67 = arith.constant 80 : index
    %swap3A_68 = tpu.vector_load %arg7[%swap3A_67] {strides = array<i32>} : memref<128xf32, #tpu.memory_space<vmem>>, vector<16xf32>,
    tpu.vector_store %arg7[%swap3A_67], %gather3A_66 {strides = array<i32>} : memref<128xf32, #tpu.memory_space<vmem>>, vector<16xf32>,
    %get3A_69 = arith.constant 96 : index
    %get3A_70 = tpu.vector_load %arg6[%get3A_69] {strides = array<i32>} : memref<128xi32, #tpu.memory_space<vmem>>, vector<16xi32>,
    %gather3A_71 = tpu.vector_load_idx %arg5[%get3A_70] : memref<8192xf32, #tpu.memory_space<vmem>>[vector<16xi32>], vector<16xf32>,
    %swap3A_72 = arith.constant 96 : index
    %swap3A_73 = tpu.vector_load %arg7[%swap3A_72] {strides = array<i32>} : memref<128xf32, #tpu.memory_space<vmem>>, vector<16xf32>,
    tpu.vector_store %arg7[%swap3A_72], %gather3A_71 {strides = array<i32>} : memref<128xf32, #tpu.memory_space<vmem>>, vector<16xf32>,
    %get3A_74 = arith.constant 112 : index
    %get3A_75 = tpu.vector_load %arg6[%get3A_74] {strides = array<i32>} : memref<128xi32, #tpu.memory_space<vmem>>, vector<16xi32>,
    %gather3A_76 = tpu.vector_load_idx %arg5[%get3A_75] : memref<8192xf32, #tpu.memory_space<vmem>>[vector<16xi32>], vector<16xf32>,
    %swap3A_77 = arith.constant 112 : index
    %swap3A_78 = tpu.vector_load %arg7[%swap3A_77] {strides = array<i32>} : memref<128xf32, #tpu.memory_space<vmem>>, vector<16xf32>,
    tpu.vector_store %arg7[%swap3A_77], %gather3A_76 {strides = array<i32>} : memref<128xf32, #tpu.memory_space<vmem>>, vector<16xf32>,
    %mul3A_79 = arith.constant 3 : i32
    %mul3A_80 = arith.muli %select_n3A, %mul3A_79 : i32
    %add3A_81 = arith.constant 0 : i32
    %add3A_82 = arith.addi %mul3A_80, %add3A_81 : i32
    %mul3A_83 = arith.constant 512 : i32
    %mul3A_84 = arith.muli %add3A_82, %mul3A_83 : i32
    %add3A_85 = arith.addi %mul3A_84, %mul3A_32 : i32
    "tpu.region"() ({
      %run_scoped3A = tpu.sem_alloc : memref<!tpu.dma_semaphore, #tpu.memory_space<semaphore_mem>>
      %dma_start3A = tpu.memref_slice %arg4[%add3A_85] : memref<12288xf32, #tpu.memory_space<hbm>> -> memref<128xf32, #tpu.memory_space<hbm>>
      %dma_start3A_192 = tpu.memref_slice %arg4[%add3A_85] : memref<12288xf32, #tpu.memory_space<hbm>> -> memref<128xf32, #tpu.memory_space<hbm>>
      tpu.enqueue_dma source(%arg7 : memref<128xf32, #tpu.memory_space<vmem>>) target(%dma_start3A_192 : memref<128xf32, #tpu.memory_space<hbm>>) target_semaphore(%run_scoped3A : memref<!tpu.dma_semaphore, #tpu.memory_space<semaphore_mem>>)
      %dma_wait3A = tpu.memref_slice %arg4[%add3A_85] : memref<12288xf32, #tpu.memory_space<hbm>> -> memref<128xf32, #tpu.memory_space<hbm>>
      %dma_wait3A_193 = tpu.memref_slice %arg4[%add3A_85] : memref<12288xf32, #tpu.memory_space<hbm>> -> memref<128xf32, #tpu.memory_space<hbm>>
      tpu.wait_dma2 semaphore(%run_scoped3A : memref<!tpu.dma_semaphore, #tpu.memory_space<semaphore_mem>>) src(%arg7 : memref<128xf32, #tpu.memory_space<vmem>>) dst(%dma_wait3A_193 : memref<128xf32, #tpu.memory_space<hbm>>)
      tpu.yield
    }) : () -> ()
    %mul3A_86 = arith.constant 3 : i32
    %mul3A_87 = arith.muli %select_n3A, %mul3A_86 : i32
    %add3A_88 = arith.constant 1 : i32
    %add3A_89 = arith.addi %mul3A_87, %add3A_88 : i32
    %mul3A_90 = arith.constant 8192 : i32
    %mul3A_91 = arith.muli %add3A_89, %mul3A_90 : i32
    "tpu.region"() ({
      %run_scoped3A = tpu.sem_alloc : memref<!tpu.dma_semaphore, #tpu.memory_space<semaphore_mem>>
      %dma_start3A = tpu.memref_slice %arg2[%mul3A_91] : memref<196608xf32, #tpu.memory_space<hbm>> -> memref<8192xf32, #tpu.memory_space<hbm>>
      %dma_start3A_192 = tpu.memref_slice %arg2[%mul3A_91] : memref<196608xf32, #tpu.memory_space<hbm>> -> memref<8192xf32, #tpu.memory_space<hbm>>
      tpu.enqueue_dma source(%dma_start3A_192 : memref<8192xf32, #tpu.memory_space<hbm>>) target(%arg5 : memref<8192xf32, #tpu.memory_space<vmem>>) target_semaphore(%run_scoped3A : memref<!tpu.dma_semaphore, #tpu.memory_space<semaphore_mem>>)
      %dma_wait3A = tpu.memref_slice %arg2[%mul3A_91] : memref<196608xf32, #tpu.memory_space<hbm>> -> memref<8192xf32, #tpu.memory_space<hbm>>
      %dma_wait3A_193 = tpu.memref_slice %arg2[%mul3A_91] : memref<196608xf32, #tpu.memory_space<hbm>> -> memref<8192xf32, #tpu.memory_space<hbm>>
      tpu.wait_dma2 semaphore(%run_scoped3A : memref<!tpu.dma_semaphore, #tpu.memory_space<semaphore_mem>>) src(%dma_wait3A_193 : memref<8192xf32, #tpu.memory_space<hbm>>) dst(%arg5 : memref<8192xf32, #tpu.memory_space<vmem>>)
      tpu.yield
    }) : () -> ()
    %get3A_92 = arith.constant 0 : index
    %get3A_93 = tpu.vector_load %arg6[%get3A_92] {strides = array<i32>} : memref<128xi32, #tpu.memory_space<vmem>>, vector<16xi32>,
    %gather3A_94 = tpu.vector_load_idx %arg5[%get3A_93] : memref<8192xf32, #tpu.memory_space<vmem>>[vector<16xi32>], vector<16xf32>,
    %swap3A_95 = arith.constant 0 : index
    %swap3A_96 = tpu.vector_load %arg7[%swap3A_95] {strides = array<i32>} : memref<128xf32, #tpu.memory_space<vmem>>, vector<16xf32>,
    tpu.vector_store %arg7[%swap3A_95], %gather3A_94 {strides = array<i32>} : memref<128xf32, #tpu.memory_space<vmem>>, vector<16xf32>,
    %get3A_97 = arith.constant 16 : index
    %get3A_98 = tpu.vector_load %arg6[%get3A_97] {strides = array<i32>} : memref<128xi32, #tpu.memory_space<vmem>>, vector<16xi32>,
    %gather3A_99 = tpu.vector_load_idx %arg5[%get3A_98] : memref<8192xf32, #tpu.memory_space<vmem>>[vector<16xi32>], vector<16xf32>,
    %swap3A_100 = arith.constant 16 : index
    %swap3A_101 = tpu.vector_load %arg7[%swap3A_100] {strides = array<i32>} : memref<128xf32, #tpu.memory_space<vmem>>, vector<16xf32>,
    tpu.vector_store %arg7[%swap3A_100], %gather3A_99 {strides = array<i32>} : memref<128xf32, #tpu.memory_space<vmem>>, vector<16xf32>,
    %get3A_102 = arith.constant 32 : index
    %get3A_103 = tpu.vector_load %arg6[%get3A_102] {strides = array<i32>} : memref<128xi32, #tpu.memory_space<vmem>>, vector<16xi32>,
    %gather3A_104 = tpu.vector_load_idx %arg5[%get3A_103] : memref<8192xf32, #tpu.memory_space<vmem>>[vector<16xi32>], vector<16xf32>,
    %swap3A_105 = arith.constant 32 : index
    %swap3A_106 = tpu.vector_load %arg7[%swap3A_105] {strides = array<i32>} : memref<128xf32, #tpu.memory_space<vmem>>, vector<16xf32>,
    tpu.vector_store %arg7[%swap3A_105], %gather3A_104 {strides = array<i32>} : memref<128xf32, #tpu.memory_space<vmem>>, vector<16xf32>,
    %get3A_107 = arith.constant 48 : index
    %get3A_108 = tpu.vector_load %arg6[%get3A_107] {strides = array<i32>} : memref<128xi32, #tpu.memory_space<vmem>>, vector<16xi32>,
    %gather3A_109 = tpu.vector_load_idx %arg5[%get3A_108] : memref<8192xf32, #tpu.memory_space<vmem>>[vector<16xi32>], vector<16xf32>,
    %swap3A_110 = arith.constant 48 : index
    %swap3A_111 = tpu.vector_load %arg7[%swap3A_110] {strides = array<i32>} : memref<128xf32, #tpu.memory_space<vmem>>, vector<16xf32>,
    tpu.vector_store %arg7[%swap3A_110], %gather3A_109 {strides = array<i32>} : memref<128xf32, #tpu.memory_space<vmem>>, vector<16xf32>,
    %get3A_112 = arith.constant 64 : index
    %get3A_113 = tpu.vector_load %arg6[%get3A_112] {strides = array<i32>} : memref<128xi32, #tpu.memory_space<vmem>>, vector<16xi32>,
    %gather3A_114 = tpu.vector_load_idx %arg5[%get3A_113] : memref<8192xf32, #tpu.memory_space<vmem>>[vector<16xi32>], vector<16xf32>,
    %swap3A_115 = arith.constant 64 : index
    %swap3A_116 = tpu.vector_load %arg7[%swap3A_115] {strides = array<i32>} : memref<128xf32, #tpu.memory_space<vmem>>, vector<16xf32>,
    tpu.vector_store %arg7[%swap3A_115], %gather3A_114 {strides = array<i32>} : memref<128xf32, #tpu.memory_space<vmem>>, vector<16xf32>,
    %get3A_117 = arith.constant 80 : index
    %get3A_118 = tpu.vector_load %arg6[%get3A_117] {strides = array<i32>} : memref<128xi32, #tpu.memory_space<vmem>>, vector<16xi32>,
    %gather3A_119 = tpu.vector_load_idx %arg5[%get3A_118] : memref<8192xf32, #tpu.memory_space<vmem>>[vector<16xi32>], vector<16xf32>,
    %swap3A_120 = arith.constant 80 : index
    %swap3A_121 = tpu.vector_load %arg7[%swap3A_120] {strides = array<i32>} : memref<128xf32, #tpu.memory_space<vmem>>, vector<16xf32>,
    tpu.vector_store %arg7[%swap3A_120], %gather3A_119 {strides = array<i32>} : memref<128xf32, #tpu.memory_space<vmem>>, vector<16xf32>,
    %get3A_122 = arith.constant 96 : index
    %get3A_123 = tpu.vector_load %arg6[%get3A_122] {strides = array<i32>} : memref<128xi32, #tpu.memory_space<vmem>>, vector<16xi32>,
    %gather3A_124 = tpu.vector_load_idx %arg5[%get3A_123] : memref<8192xf32, #tpu.memory_space<vmem>>[vector<16xi32>], vector<16xf32>,
    %swap3A_125 = arith.constant 96 : index
    %swap3A_126 = tpu.vector_load %arg7[%swap3A_125] {strides = array<i32>} : memref<128xf32, #tpu.memory_space<vmem>>, vector<16xf32>,
    tpu.vector_store %arg7[%swap3A_125], %gather3A_124 {strides = array<i32>} : memref<128xf32, #tpu.memory_space<vmem>>, vector<16xf32>,
    %get3A_127 = arith.constant 112 : index
    %get3A_128 = tpu.vector_load %arg6[%get3A_127] {strides = array<i32>} : memref<128xi32, #tpu.memory_space<vmem>>, vector<16xi32>,
    %gather3A_129 = tpu.vector_load_idx %arg5[%get3A_128] : memref<8192xf32, #tpu.memory_space<vmem>>[vector<16xi32>], vector<16xf32>,
    %swap3A_130 = arith.constant 112 : index
    %swap3A_131 = tpu.vector_load %arg7[%swap3A_130] {strides = array<i32>} : memref<128xf32, #tpu.memory_space<vmem>>, vector<16xf32>,
    tpu.vector_store %arg7[%swap3A_130], %gather3A_129 {strides = array<i32>} : memref<128xf32, #tpu.memory_space<vmem>>, vector<16xf32>,
    %mul3A_132 = arith.constant 3 : i32
    %mul3A_133 = arith.muli %select_n3A, %mul3A_132 : i32
    %add3A_134 = arith.constant 1 : i32
    %add3A_135 = arith.addi %mul3A_133, %add3A_134 : i32
    %mul3A_136 = arith.constant 512 : i32
    %mul3A_137 = arith.muli %add3A_135, %mul3A_136 : i32
    %add3A_138 = arith.addi %mul3A_137, %mul3A_32 : i32
    "tpu.region"() ({
      %run_scoped3A = tpu.sem_alloc : memref<!tpu.dma_semaphore, #tpu.memory_space<semaphore_mem>>
      %dma_start3A = tpu.memref_slice %arg4[%add3A_138] : memref<12288xf32, #tpu.memory_space<hbm>> -> memref<128xf32, #tpu.memory_space<hbm>>
      %dma_start3A_192 = tpu.memref_slice %arg4[%add3A_138] : memref<12288xf32, #tpu.memory_space<hbm>> -> memref<128xf32, #tpu.memory_space<hbm>>
      tpu.enqueue_dma source(%arg7 : memref<128xf32, #tpu.memory_space<vmem>>) target(%dma_start3A_192 : memref<128xf32, #tpu.memory_space<hbm>>) target_semaphore(%run_scoped3A : memref<!tpu.dma_semaphore, #tpu.memory_space<semaphore_mem>>)
      %dma_wait3A = tpu.memref_slice %arg4[%add3A_138] : memref<12288xf32, #tpu.memory_space<hbm>> -> memref<128xf32, #tpu.memory_space<hbm>>
      %dma_wait3A_193 = tpu.memref_slice %arg4[%add3A_138] : memref<12288xf32, #tpu.memory_space<hbm>> -> memref<128xf32, #tpu.memory_space<hbm>>
      tpu.wait_dma2 semaphore(%run_scoped3A : memref<!tpu.dma_semaphore, #tpu.memory_space<semaphore_mem>>) src(%arg7 : memref<128xf32, #tpu.memory_space<vmem>>) dst(%dma_wait3A_193 : memref<128xf32, #tpu.memory_space<hbm>>)
      tpu.yield
    }) : () -> ()
    %mul3A_139 = arith.constant 3 : i32
    %mul3A_140 = arith.muli %select_n3A, %mul3A_139 : i32
    %add3A_141 = arith.constant 2 : i32
    %add3A_142 = arith.addi %mul3A_140, %add3A_141 : i32
    %mul3A_143 = arith.constant 8192 : i32
    %mul3A_144 = arith.muli %add3A_142, %mul3A_143 : i32
    "tpu.region"() ({
      %run_scoped3A = tpu.sem_alloc : memref<!tpu.dma_semaphore, #tpu.memory_space<semaphore_mem>>
      %dma_start3A = tpu.memref_slice %arg2[%mul3A_144] : memref<196608xf32, #tpu.memory_space<hbm>> -> memref<8192xf32, #tpu.memory_space<hbm>>
      %dma_start3A_192 = tpu.memref_slice %arg2[%mul3A_144] : memref<196608xf32, #tpu.memory_space<hbm>> -> memref<8192xf32, #tpu.memory_space<hbm>>
      tpu.enqueue_dma source(%dma_start3A_192 : memref<8192xf32, #tpu.memory_space<hbm>>) target(%arg5 : memref<8192xf32, #tpu.memory_space<vmem>>) target_semaphore(%run_scoped3A : memref<!tpu.dma_semaphore, #tpu.memory_space<semaphore_mem>>)
      %dma_wait3A = tpu.memref_slice %arg2[%mul3A_144] : memref<196608xf32, #tpu.memory_space<hbm>> -> memref<8192xf32, #tpu.memory_space<hbm>>
      %dma_wait3A_193 = tpu.memref_slice %arg2[%mul3A_144] : memref<196608xf32, #tpu.memory_space<hbm>> -> memref<8192xf32, #tpu.memory_space<hbm>>
      tpu.wait_dma2 semaphore(%run_scoped3A : memref<!tpu.dma_semaphore, #tpu.memory_space<semaphore_mem>>) src(%dma_wait3A_193 : memref<8192xf32, #tpu.memory_space<hbm>>) dst(%arg5 : memref<8192xf32, #tpu.memory_space<vmem>>)
      tpu.yield
    }) : () -> ()
    %get3A_145 = arith.constant 0 : index
    %get3A_146 = tpu.vector_load %arg6[%get3A_145] {strides = array<i32>} : memref<128xi32, #tpu.memory_space<vmem>>, vector<16xi32>,
    %gather3A_147 = tpu.vector_load_idx %arg5[%get3A_146] : memref<8192xf32, #tpu.memory_space<vmem>>[vector<16xi32>], vector<16xf32>,
    %swap3A_148 = arith.constant 0 : index
    %swap3A_149 = tpu.vector_load %arg7[%swap3A_148] {strides = array<i32>} : memref<128xf32, #tpu.memory_space<vmem>>, vector<16xf32>,
    tpu.vector_store %arg7[%swap3A_148], %gather3A_147 {strides = array<i32>} : memref<128xf32, #tpu.memory_space<vmem>>, vector<16xf32>,
    %get3A_150 = arith.constant 16 : index
    %get3A_151 = tpu.vector_load %arg6[%get3A_150] {strides = array<i32>} : memref<128xi32, #tpu.memory_space<vmem>>, vector<16xi32>,
    %gather3A_152 = tpu.vector_load_idx %arg5[%get3A_151] : memref<8192xf32, #tpu.memory_space<vmem>>[vector<16xi32>], vector<16xf32>,
    %swap3A_153 = arith.constant 16 : index
    %swap3A_154 = tpu.vector_load %arg7[%swap3A_153] {strides = array<i32>} : memref<128xf32, #tpu.memory_space<vmem>>, vector<16xf32>,
    tpu.vector_store %arg7[%swap3A_153], %gather3A_152 {strides = array<i32>} : memref<128xf32, #tpu.memory_space<vmem>>, vector<16xf32>,
    %get3A_155 = arith.constant 32 : index
    %get3A_156 = tpu.vector_load %arg6[%get3A_155] {strides = array<i32>} : memref<128xi32, #tpu.memory_space<vmem>>, vector<16xi32>,
    %gather3A_157 = tpu.vector_load_idx %arg5[%get3A_156] : memref<8192xf32, #tpu.memory_space<vmem>>[vector<16xi32>], vector<16xf32>,
    %swap3A_158 = arith.constant 32 : index
    %swap3A_159 = tpu.vector_load %arg7[%swap3A_158] {strides = array<i32>} : memref<128xf32, #tpu.memory_space<vmem>>, vector<16xf32>,
    tpu.vector_store %arg7[%swap3A_158], %gather3A_157 {strides = array<i32>} : memref<128xf32, #tpu.memory_space<vmem>>, vector<16xf32>,
    %get3A_160 = arith.constant 48 : index
    %get3A_161 = tpu.vector_load %arg6[%get3A_160] {strides = array<i32>} : memref<128xi32, #tpu.memory_space<vmem>>, vector<16xi32>,
    %gather3A_162 = tpu.vector_load_idx %arg5[%get3A_161] : memref<8192xf32, #tpu.memory_space<vmem>>[vector<16xi32>], vector<16xf32>,
    %swap3A_163 = arith.constant 48 : index
    %swap3A_164 = tpu.vector_load %arg7[%swap3A_163] {strides = array<i32>} : memref<128xf32, #tpu.memory_space<vmem>>, vector<16xf32>,
    tpu.vector_store %arg7[%swap3A_163], %gather3A_162 {strides = array<i32>} : memref<128xf32, #tpu.memory_space<vmem>>, vector<16xf32>,
    %get3A_165 = arith.constant 64 : index
    %get3A_166 = tpu.vector_load %arg6[%get3A_165] {strides = array<i32>} : memref<128xi32, #tpu.memory_space<vmem>>, vector<16xi32>,
    %gather3A_167 = tpu.vector_load_idx %arg5[%get3A_166] : memref<8192xf32, #tpu.memory_space<vmem>>[vector<16xi32>], vector<16xf32>,
    %swap3A_168 = arith.constant 64 : index
    %swap3A_169 = tpu.vector_load %arg7[%swap3A_168] {strides = array<i32>} : memref<128xf32, #tpu.memory_space<vmem>>, vector<16xf32>,
    tpu.vector_store %arg7[%swap3A_168], %gather3A_167 {strides = array<i32>} : memref<128xf32, #tpu.memory_space<vmem>>, vector<16xf32>,
    %get3A_170 = arith.constant 80 : index
    %get3A_171 = tpu.vector_load %arg6[%get3A_170] {strides = array<i32>} : memref<128xi32, #tpu.memory_space<vmem>>, vector<16xi32>,
    %gather3A_172 = tpu.vector_load_idx %arg5[%get3A_171] : memref<8192xf32, #tpu.memory_space<vmem>>[vector<16xi32>], vector<16xf32>,
    %swap3A_173 = arith.constant 80 : index
    %swap3A_174 = tpu.vector_load %arg7[%swap3A_173] {strides = array<i32>} : memref<128xf32, #tpu.memory_space<vmem>>, vector<16xf32>,
    tpu.vector_store %arg7[%swap3A_173], %gather3A_172 {strides = array<i32>} : memref<128xf32, #tpu.memory_space<vmem>>, vector<16xf32>,
    %get3A_175 = arith.constant 96 : index
    %get3A_176 = tpu.vector_load %arg6[%get3A_175] {strides = array<i32>} : memref<128xi32, #tpu.memory_space<vmem>>, vector<16xi32>,
    %gather3A_177 = tpu.vector_load_idx %arg5[%get3A_176] : memref<8192xf32, #tpu.memory_space<vmem>>[vector<16xi32>], vector<16xf32>,
    %swap3A_178 = arith.constant 96 : index
    %swap3A_179 = tpu.vector_load %arg7[%swap3A_178] {strides = array<i32>} : memref<128xf32, #tpu.memory_space<vmem>>, vector<16xf32>,
    tpu.vector_store %arg7[%swap3A_178], %gather3A_177 {strides = array<i32>} : memref<128xf32, #tpu.memory_space<vmem>>, vector<16xf32>,
    %get3A_180 = arith.constant 112 : index
    %get3A_181 = tpu.vector_load %arg6[%get3A_180] {strides = array<i32>} : memref<128xi32, #tpu.memory_space<vmem>>, vector<16xi32>,
    %gather3A_182 = tpu.vector_load_idx %arg5[%get3A_181] : memref<8192xf32, #tpu.memory_space<vmem>>[vector<16xi32>], vector<16xf32>,
    %swap3A_183 = arith.constant 112 : index
    %swap3A_184 = tpu.vector_load %arg7[%swap3A_183] {strides = array<i32>} : memref<128xf32, #tpu.memory_space<vmem>>, vector<16xf32>,
    tpu.vector_store %arg7[%swap3A_183], %gather3A_182 {strides = array<i32>} : memref<128xf32, #tpu.memory_space<vmem>>, vector<16xf32>,
    %mul3A_185 = arith.constant 3 : i32
    %mul3A_186 = arith.muli %select_n3A, %mul3A_185 : i32
    %add3A_187 = arith.constant 2 : i32
    %add3A_188 = arith.addi %mul3A_186, %add3A_187 : i32
    %mul3A_189 = arith.constant 512 : i32
    %mul3A_190 = arith.muli %add3A_188, %mul3A_189 : i32
    %add3A_191 = arith.addi %mul3A_190, %mul3A_32 : i32
    "tpu.region"() ({
      %run_scoped3A = tpu.sem_alloc : memref<!tpu.dma_semaphore, #tpu.memory_space<semaphore_mem>>
      %dma_start3A = tpu.memref_slice %arg4[%add3A_191] : memref<12288xf32, #tpu.memory_space<hbm>> -> memref<128xf32, #tpu.memory_space<hbm>>
      %dma_start3A_192 = tpu.memref_slice %arg4[%add3A_191] : memref<12288xf32, #tpu.memory_space<hbm>> -> memref<128xf32, #tpu.memory_space<hbm>>
      tpu.enqueue_dma source(%arg7 : memref<128xf32, #tpu.memory_space<vmem>>) target(%dma_start3A_192 : memref<128xf32, #tpu.memory_space<hbm>>) target_semaphore(%run_scoped3A : memref<!tpu.dma_semaphore, #tpu.memory_space<semaphore_mem>>)
      %dma_wait3A = tpu.memref_slice %arg4[%add3A_191] : memref<12288xf32, #tpu.memory_space<hbm>> -> memref<128xf32, #tpu.memory_space<hbm>>
      %dma_wait3A_193 = tpu.memref_slice %arg4[%add3A_191] : memref<12288xf32, #tpu.memory_space<hbm>> -> memref<128xf32, #tpu.memory_space<hbm>>
      tpu.wait_dma2 semaphore(%run_scoped3A : memref<!tpu.dma_semaphore, #tpu.memory_space<semaphore_mem>>) src(%arg7 : memref<128xf32, #tpu.memory_space<vmem>>) dst(%dma_wait3A_193 : memref<128xf32, #tpu.memory_space<hbm>>)
      tpu.yield
    }) : () -> ()
    return
  }
}

module attributes {stable_mosaic.version = 14 : i64} {
  func.func @_tc_body(%arg0: i32, %arg1: i32, %arg2: memref<1x4096x512xf32, #tpu.memory_space<vmem>>, %arg3: memref<1x3x8192xf32, #tpu.memory_space<vmem>>, %arg4: memref<512x256xf32, #tpu.memory_space<vmem>>, %arg5: memref<1x256xf32, #tpu.memory_space<vmem>>, %arg6: memref<1x256xf32, #tpu.memory_space<vmem>>, %arg7: memref<1x256xf32, #tpu.memory_space<vmem>>, %arg8: memref<1x256xf32, #tpu.memory_space<vmem>>, %arg9: memref<1x256xf32, #tpu.memory_space<vmem>>, %arg10: memref<256x256xf32, #tpu.memory_space<vmem>>, %arg11: memref<1x256xf32, #tpu.memory_space<vmem>>, %arg12: memref<1x256xf32, #tpu.memory_space<vmem>>, %arg13: memref<1x256xf32, #tpu.memory_space<vmem>>, %arg14: memref<1x256xf32, #tpu.memory_space<vmem>>, %arg15: memref<1x256xf32, #tpu.memory_space<vmem>>, %arg16: memref<256x256xf32, #tpu.memory_space<vmem>>, %arg17: memref<1x256xf32, #tpu.memory_space<vmem>>, %arg18: memref<1x256xf32, #tpu.memory_space<vmem>>, %arg19: memref<1x256xf32, #tpu.memory_space<vmem>>, %arg20: memref<1x256xf32, #tpu.memory_space<vmem>>, %arg21: memref<1x256xf32, #tpu.memory_space<vmem>>, %arg22: memref<256x512xf32, #tpu.memory_space<vmem>>, %arg23: memref<256x512xf32, #tpu.memory_space<vmem>>, %arg24: memref<256x512xf32, #tpu.memory_space<vmem>>, %arg25: memref<1x512xf32, #tpu.memory_space<vmem>>, %arg26: memref<1x512xf32, #tpu.memory_space<vmem>>, %arg27: memref<1x512xf32, #tpu.memory_space<vmem>>, %arg28: memref<1x512x1xi32, #tpu.memory_space<vmem>>, %arg29: memref<2x512xf32, #tpu.memory_space<vmem>>, %arg30: memref<512x4xf32, #tpu.memory_space<vmem>>, %arg31: memref<512x1xf32, #tpu.memory_space<vmem>>, %arg32: memref<512x1xi32, #tpu.memory_space<vmem>>) attributes {dimension_semantics = [#tpu.dimension_semantics<arbitrary>, #tpu.dimension_semantics<arbitrary>], iteration_bounds = array<i64: 9, 2>, scalar_prefetch = 0 : i64, scratch_operands = 4 : i64, tpu.core_type = #tpu.core_type<tc>, window_params = [{transform_indices = @transform_0, window_bounds = array<i64: 1, 4096, 512>}, {transform_indices = @transform_1, window_bounds = array<i64: 1, 3, 8192>}, {pipeline_mode = #tpu.pipeline_mode<synchronous>, transform_indices = @transform_2, window_bounds = array<i64: 512, 256>}, {pipeline_mode = #tpu.pipeline_mode<synchronous>, transform_indices = @transform_3, window_bounds = array<i64: 1, 256>}, {pipeline_mode = #tpu.pipeline_mode<synchronous>, transform_indices = @transform_4, window_bounds = array<i64: 1, 256>}, {pipeline_mode = #tpu.pipeline_mode<synchronous>, transform_indices = @transform_5, window_bounds = array<i64: 1, 256>}, {pipeline_mode = #tpu.pipeline_mode<synchronous>, transform_indices = @transform_6, window_bounds = array<i64: 1, 256>}, {pipeline_mode = #tpu.pipeline_mode<synchronous>, transform_indices = @transform_7, window_bounds = array<i64: 1, 256>}, {pipeline_mode = #tpu.pipeline_mode<synchronous>, transform_indices = @transform_8, window_bounds = array<i64: 256, 256>}, {pipeline_mode = #tpu.pipeline_mode<synchronous>, transform_indices = @transform_9, window_bounds = array<i64: 1, 256>}, {pipeline_mode = #tpu.pipeline_mode<synchronous>, transform_indices = @transform_10, window_bounds = array<i64: 1, 256>}, {pipeline_mode = #tpu.pipeline_mode<synchronous>, transform_indices = @transform_11, window_bounds = array<i64: 1, 256>}, {pipeline_mode = #tpu.pipeline_mode<synchronous>, transform_indices = @transform_12, window_bounds = array<i64: 1, 256>}, {pipeline_mode = #tpu.pipeline_mode<synchronous>, transform_indices = @transform_13, window_bounds = array<i64: 1, 256>}, {pipeline_mode = #tpu.pipeline_mode<synchronous>, transform_indices = @transform_14, window_bounds = array<i64: 256, 256>}, {pipeline_mode = #tpu.pipeline_mode<synchronous>, transform_indices = @transform_15, window_bounds = array<i64: 1, 256>}, {pipeline_mode = #tpu.pipeline_mode<synchronous>, transform_indices = @transform_16, window_bounds = array<i64: 1, 256>}, {pipeline_mode = #tpu.pipeline_mode<synchronous>, transform_indices = @transform_17, window_bounds = array<i64: 1, 256>}, {pipeline_mode = #tpu.pipeline_mode<synchronous>, transform_indices = @transform_18, window_bounds = array<i64: 1, 256>}, {pipeline_mode = #tpu.pipeline_mode<synchronous>, transform_indices = @transform_19, window_bounds = array<i64: 1, 256>}, {pipeline_mode = #tpu.pipeline_mode<synchronous>, transform_indices = @transform_20, window_bounds = array<i64: 256, 512>}, {pipeline_mode = #tpu.pipeline_mode<synchronous>, transform_indices = @transform_21, window_bounds = array<i64: 256, 512>}, {pipeline_mode = #tpu.pipeline_mode<synchronous>, transform_indices = @transform_22, window_bounds = array<i64: 256, 512>}, {pipeline_mode = #tpu.pipeline_mode<synchronous>, transform_indices = @transform_23, window_bounds = array<i64: 1, 512>}, {pipeline_mode = #tpu.pipeline_mode<synchronous>, transform_indices = @transform_24, window_bounds = array<i64: 1, 512>}, {pipeline_mode = #tpu.pipeline_mode<synchronous>, transform_indices = @transform_25, window_bounds = array<i64: 1, 512>}, {transform_indices = @transform_26, window_bounds = array<i64: 1, 512, 1>}]} {
    %jit3A = arith.constant 2 : i32
    %eq3A = arith.constant 0 : i32
    %eq3A_0 = arith.cmpi eq, %jit3A, %eq3A : i32
    %jit3A_1 = arith.constant 1 : i32
    %select_n3A = arith.select %eq3A_0, %jit3A_1, %jit3A : i32
    %rem3A = arith.remsi %arg0, %select_n3A : i32
    %ne3A = arith.constant 0 : i32
    %ne3A_2 = arith.cmpi ne, %rem3A, %ne3A : i32
    %lt3A = arith.constant 0 : i32
    %lt3A_3 = arith.cmpi slt, %rem3A, %lt3A : i32
    %lt3A_4 = arith.constant 0 : i32
    %lt3A_5 = arith.cmpi slt, %select_n3A, %lt3A_4 : i32
    %ne3A_6 = arith.xori %lt3A_3, %lt3A_5 : i1
    %and3A = arith.andi %ne3A_6, %ne3A_2 : i1
    %add3A = arith.addi %rem3A, %select_n3A : i32
    %select_n3A_7 = arith.select %and3A, %add3A, %rem3A : i32
    %lt3A_8 = arith.constant 8 : i32
    %lt3A_9 = arith.cmpi slt, %arg0, %lt3A_8 : i32
    %convert_element_type3A = arith.extui %lt3A_9 : i1 to i32
    %cond3A = arith.constant 0 : i32
    %cond3A_10 = arith.cmpi ne, %convert_element_type3A, %cond3A : i32
    scf.if %cond3A_10 {
      %get3A = arith.constant 0 : index
      %get3A_23 = arith.constant 0 : index
      %get3A_24 = arith.constant 0 : index
      %get3A_25 = vector.load %arg2[%get3A, %get3A_23, %get3A_24] : memref<1x4096x512xf32, #tpu.memory_space<vmem>>, vector<1x4096x512xf32>
      %get3A_26 = vector.shape_cast %get3A_25 : vector<1x4096x512xf32> to vector<4096x512xf32>
      %reduce_max3A = arith.constant dense<0xFF800000> : vector<512xf32>
      %reduce_max3A_27 = vector.multi_reduction <maximumf>, %get3A_26, %reduce_max3A [0] : vector<4096x512xf32> to vector<512xf32>
      %broadcast_in_dim3A = vector.shape_cast %reduce_max3A_27 : vector<512xf32> to vector<1x512xf32>
      %eq3A_28 = arith.constant 0 : i32
      %eq3A_29 = arith.cmpi eq, %arg1, %eq3A_28 : i32
      %convert_element_type3A_30 = arith.extui %eq3A_29 : i1 to i32
      %cond3A_31 = arith.constant 0 : i32
      %cond3A_32 = arith.cmpi ne, %convert_element_type3A_30, %cond3A_31 : i32
      scf.if %cond3A_32 {
        %swap3A = arith.index_cast %select_n3A_7 : i32 to index
        %swap3A_38 = arith.constant 0 : index
        %swap3A_39 = vector.load %arg29[%swap3A, %swap3A_38] : memref<2x512xf32, #tpu.memory_space<vmem>>, vector<1x512xf32>
        tpu.vector_store %arg29[%swap3A, %swap3A_38], %broadcast_in_dim3A {strides = array<i32>} : memref<2x512xf32, #tpu.memory_space<vmem>>, vector<1x512xf32>,
      } else {
      }
      %ne3A_33 = arith.constant 0 : i32
      %ne3A_34 = arith.cmpi ne, %arg1, %ne3A_33 : i32
      %convert_element_type3A_35 = arith.extui %ne3A_34 : i1 to i32
      %cond3A_36 = arith.constant 0 : i32
      %cond3A_37 = arith.cmpi ne, %convert_element_type3A_35, %cond3A_36 : i32
      scf.if %cond3A_37 {
        %get3A_38 = arith.index_cast %select_n3A_7 : i32 to index
        %get3A_39 = arith.constant 0 : index
        %get3A_40 = vector.load %arg29[%get3A_38, %get3A_39] : memref<2x512xf32, #tpu.memory_space<vmem>>, vector<1x512xf32>
        %max3A = arith.maximumf %get3A_40, %broadcast_in_dim3A : vector<1x512xf32>
        %swap3A = arith.index_cast %select_n3A_7 : i32 to index
        %swap3A_41 = arith.constant 0 : index
        %swap3A_42 = vector.load %arg29[%swap3A, %swap3A_41] : memref<2x512xf32, #tpu.memory_space<vmem>>, vector<1x512xf32>
        tpu.vector_store %arg29[%swap3A, %swap3A_41], %max3A {strides = array<i32>} : memref<2x512xf32, #tpu.memory_space<vmem>>, vector<1x512xf32>,
      } else {
      }
    } else {
    }
    %gt3A = arith.constant 0 : i32
    %gt3A_11 = arith.cmpi sgt, %arg0, %gt3A : i32
    %eq3A_12 = arith.constant 0 : i32
    %eq3A_13 = arith.cmpi eq, %arg1, %eq3A_12 : i32
    %and3A_14 = arith.andi %gt3A_11, %eq3A_13 : i1
    %convert_element_type3A_15 = arith.extui %and3A_14 : i1 to i32
    %cond3A_16 = arith.constant 0 : i32
    %cond3A_17 = arith.cmpi ne, %convert_element_type3A_15, %cond3A_16 : i32
    scf.if %cond3A_17 {
      %add3A_23 = arith.constant 1 : i32
      %add3A_24 = arith.addi %arg0, %add3A_23 : i32
      %jit3A_25 = arith.constant 2 : i32
      %eq3A_26 = arith.constant 0 : i32
      %eq3A_27 = arith.cmpi eq, %jit3A_25, %eq3A_26 : i32
      %jit3A_28 = arith.constant 1 : i32
      %select_n3A_29 = arith.select %eq3A_27, %jit3A_28, %jit3A_25 : i32
      %rem3A_30 = arith.remsi %add3A_24, %select_n3A_29 : i32
      %ne3A_31 = arith.constant 0 : i32
      %ne3A_32 = arith.cmpi ne, %rem3A_30, %ne3A_31 : i32
      %lt3A_33 = arith.constant 0 : i32
      %lt3A_34 = arith.cmpi slt, %rem3A_30, %lt3A_33 : i32
      %lt3A_35 = arith.constant 0 : i32
      %lt3A_36 = arith.cmpi slt, %select_n3A_29, %lt3A_35 : i32
      %ne3A_37 = arith.xori %lt3A_34, %lt3A_36 : i1
      %and3A_38 = arith.andi %ne3A_37, %ne3A_32 : i1
      %add3A_39 = arith.addi %rem3A_30, %select_n3A_29 : i32
      %select_n3A_40 = arith.select %and3A_38, %add3A_39, %rem3A_30 : i32
      %get3A = arith.index_cast %select_n3A_40 : i32 to index
      %get3A_41 = arith.constant 0 : index
      %get3A_42 = vector.load %arg29[%get3A, %get3A_41] : memref<2x512xf32, #tpu.memory_space<vmem>>, vector<1x512xf32>
      %convert_element_type3A_43 = arith.truncf %get3A_42 : vector<1x512xf32> to vector<1x512xbf16>
      %get3A_44 = arith.constant 0 : index
      %get3A_45 = arith.constant 0 : index
      %get3A_46 = vector.load %arg4[%get3A_44, %get3A_45] : memref<512x256xf32, #tpu.memory_space<vmem>>, vector<512x256xf32>
      %convert_element_type3A_47 = arith.truncf %get3A_46 : vector<512x256xf32> to vector<512x256xbf16>
      %dot_general3A = arith.constant dense<0.000000e+00> : vector<1x256xf32>
      %dot_general3A_48 = tpu.matmul %convert_element_type3A_43, %convert_element_type3A_47, %dot_general3A {dimension_numbers = #tpu.dot_dimension_numbers<[1], [0], [0], [1], [0, 0, 1, 1], [], []>, transpose_lhs_hint = false} : vector<1x512xbf16>, vector<512x256xbf16>, vector<1x256xf32> -> vector<1x256xf32>
      %get3A_49 = arith.constant 0 : index
      %get3A_50 = arith.constant 0 : index
      %get3A_51 = vector.load %arg5[%get3A_49, %get3A_50] : memref<1x256xf32, #tpu.memory_space<vmem>>, vector<1x256xf32>
      %add3A_52 = arith.addf %dot_general3A_48, %get3A_51 : vector<1x256xf32>
      %get3A_53 = arith.constant 0 : index
      %get3A_54 = arith.constant 0 : index
      %get3A_55 = vector.load %arg8[%get3A_53, %get3A_54] : memref<1x256xf32, #tpu.memory_space<vmem>>, vector<1x256xf32>
      %sub3A = arith.subf %add3A_52, %get3A_55 : vector<1x256xf32>
      %get3A_56 = arith.constant 0 : index
      %get3A_57 = arith.constant 0 : index
      %get3A_58 = vector.load %arg9[%get3A_56, %get3A_57] : memref<1x256xf32, #tpu.memory_space<vmem>>, vector<1x256xf32>
      %add3A_59 = arith.constant 9.99999974E-6 : f32
      %add3A_60 = vector.broadcast %add3A_59 : f32 to vector<1x256xf32>
      %add3A_61 = arith.addf %get3A_58, %add3A_60 : vector<1x256xf32>
      %sqrt3A = math.sqrt %add3A_61 : vector<1x256xf32>
      %div3A = arith.divf %sub3A, %sqrt3A : vector<1x256xf32>
      %get3A_62 = arith.constant 0 : index
      %get3A_63 = arith.constant 0 : index
      %get3A_64 = vector.load %arg6[%get3A_62, %get3A_63] : memref<1x256xf32, #tpu.memory_space<vmem>>, vector<1x256xf32>
      %mul3A = arith.mulf %div3A, %get3A_64 : vector<1x256xf32>
      %get3A_65 = arith.constant 0 : index
      %get3A_66 = arith.constant 0 : index
      %get3A_67 = vector.load %arg7[%get3A_65, %get3A_66] : memref<1x256xf32, #tpu.memory_space<vmem>>, vector<1x256xf32>
      %add3A_68 = arith.addf %mul3A, %get3A_67 : vector<1x256xf32>
      %max3A = arith.constant 0.000000e+00 : f32
      %max3A_69 = vector.broadcast %max3A : f32 to vector<1x256xf32>
      %max3A_70 = arith.maximumf %add3A_68, %max3A_69 : vector<1x256xf32>
      %convert_element_type3A_71 = arith.truncf %max3A_70 : vector<1x256xf32> to vector<1x256xbf16>
      %get3A_72 = arith.constant 0 : index
      %get3A_73 = arith.constant 0 : index
      %get3A_74 = vector.load %arg10[%get3A_72, %get3A_73] : memref<256x256xf32, #tpu.memory_space<vmem>>, vector<256x256xf32>
      %convert_element_type3A_75 = arith.truncf %get3A_74 : vector<256x256xf32> to vector<256x256xbf16>
      %dot_general3A_76 = arith.constant dense<0.000000e+00> : vector<1x256xf32>
      %dot_general3A_77 = tpu.matmul %convert_element_type3A_71, %convert_element_type3A_75, %dot_general3A_76 {dimension_numbers = #tpu.dot_dimension_numbers<[1], [0], [0], [1], [0, 0, 1, 1], [], []>, transpose_lhs_hint = false} : vector<1x256xbf16>, vector<256x256xbf16>, vector<1x256xf32> -> vector<1x256xf32>
      %get3A_78 = arith.constant 0 : index
      %get3A_79 = arith.constant 0 : index
      %get3A_80 = vector.load %arg11[%get3A_78, %get3A_79] : memref<1x256xf32, #tpu.memory_space<vmem>>, vector<1x256xf32>
      %add3A_81 = arith.addf %dot_general3A_77, %get3A_80 : vector<1x256xf32>
      %get3A_82 = arith.constant 0 : index
      %get3A_83 = arith.constant 0 : index
      %get3A_84 = vector.load %arg14[%get3A_82, %get3A_83] : memref<1x256xf32, #tpu.memory_space<vmem>>, vector<1x256xf32>
      %sub3A_85 = arith.subf %add3A_81, %get3A_84 : vector<1x256xf32>
      %get3A_86 = arith.constant 0 : index
      %get3A_87 = arith.constant 0 : index
      %get3A_88 = vector.load %arg15[%get3A_86, %get3A_87] : memref<1x256xf32, #tpu.memory_space<vmem>>, vector<1x256xf32>
      %add3A_89 = arith.constant 9.99999974E-6 : f32
      %add3A_90 = vector.broadcast %add3A_89 : f32 to vector<1x256xf32>
      %add3A_91 = arith.addf %get3A_88, %add3A_90 : vector<1x256xf32>
      %sqrt3A_92 = math.sqrt %add3A_91 : vector<1x256xf32>
      %div3A_93 = arith.divf %sub3A_85, %sqrt3A_92 : vector<1x256xf32>
      %get3A_94 = arith.constant 0 : index
      %get3A_95 = arith.constant 0 : index
      %get3A_96 = vector.load %arg12[%get3A_94, %get3A_95] : memref<1x256xf32, #tpu.memory_space<vmem>>, vector<1x256xf32>
      %mul3A_97 = arith.mulf %div3A_93, %get3A_96 : vector<1x256xf32>
      %get3A_98 = arith.constant 0 : index
      %get3A_99 = arith.constant 0 : index
      %get3A_100 = vector.load %arg13[%get3A_98, %get3A_99] : memref<1x256xf32, #tpu.memory_space<vmem>>, vector<1x256xf32>
      %add3A_101 = arith.addf %mul3A_97, %get3A_100 : vector<1x256xf32>
      %max3A_102 = arith.constant 0.000000e+00 : f32
      %max3A_103 = vector.broadcast %max3A_102 : f32 to vector<1x256xf32>
      %max3A_104 = arith.maximumf %add3A_101, %max3A_103 : vector<1x256xf32>
      %convert_element_type3A_105 = arith.truncf %max3A_104 : vector<1x256xf32> to vector<1x256xbf16>
      %get3A_106 = arith.constant 0 : index
      %get3A_107 = arith.constant 0 : index
      %get3A_108 = vector.load %arg16[%get3A_106, %get3A_107] : memref<256x256xf32, #tpu.memory_space<vmem>>, vector<256x256xf32>
      %convert_element_type3A_109 = arith.truncf %get3A_108 : vector<256x256xf32> to vector<256x256xbf16>
      %dot_general3A_110 = arith.constant dense<0.000000e+00> : vector<1x256xf32>
      %dot_general3A_111 = tpu.matmul %convert_element_type3A_105, %convert_element_type3A_109, %dot_general3A_110 {dimension_numbers = #tpu.dot_dimension_numbers<[1], [0], [0], [1], [0, 0, 1, 1], [], []>, transpose_lhs_hint = false} : vector<1x256xbf16>, vector<256x256xbf16>, vector<1x256xf32> -> vector<1x256xf32>
      %get3A_112 = arith.constant 0 : index
      %get3A_113 = arith.constant 0 : index
      %get3A_114 = vector.load %arg17[%get3A_112, %get3A_113] : memref<1x256xf32, #tpu.memory_space<vmem>>, vector<1x256xf32>
      %add3A_115 = arith.addf %dot_general3A_111, %get3A_114 : vector<1x256xf32>
      %get3A_116 = arith.constant 0 : index
      %get3A_117 = arith.constant 0 : index
      %get3A_118 = vector.load %arg20[%get3A_116, %get3A_117] : memref<1x256xf32, #tpu.memory_space<vmem>>, vector<1x256xf32>
      %sub3A_119 = arith.subf %add3A_115, %get3A_118 : vector<1x256xf32>
      %get3A_120 = arith.constant 0 : index
      %get3A_121 = arith.constant 0 : index
      %get3A_122 = vector.load %arg21[%get3A_120, %get3A_121] : memref<1x256xf32, #tpu.memory_space<vmem>>, vector<1x256xf32>
      %add3A_123 = arith.constant 9.99999974E-6 : f32
      %add3A_124 = vector.broadcast %add3A_123 : f32 to vector<1x256xf32>
      %add3A_125 = arith.addf %get3A_122, %add3A_124 : vector<1x256xf32>
      %sqrt3A_126 = math.sqrt %add3A_125 : vector<1x256xf32>
      %div3A_127 = arith.divf %sub3A_119, %sqrt3A_126 : vector<1x256xf32>
      %get3A_128 = arith.constant 0 : index
      %get3A_129 = arith.constant 0 : index
      %get3A_130 = vector.load %arg18[%get3A_128, %get3A_129] : memref<1x256xf32, #tpu.memory_space<vmem>>, vector<1x256xf32>
      %mul3A_131 = arith.mulf %div3A_127, %get3A_130 : vector<1x256xf32>
      %get3A_132 = arith.constant 0 : index
      %get3A_133 = arith.constant 0 : index
      %get3A_134 = vector.load %arg19[%get3A_132, %get3A_133] : memref<1x256xf32, #tpu.memory_space<vmem>>, vector<1x256xf32>
      %add3A_135 = arith.addf %mul3A_131, %get3A_134 : vector<1x256xf32>
      %max3A_136 = arith.constant 0.000000e+00 : f32
      %max3A_137 = vector.broadcast %max3A_136 : f32 to vector<1x256xf32>
      %max3A_138 = arith.maximumf %add3A_135, %max3A_137 : vector<1x256xf32>
      %convert_element_type3A_139 = arith.truncf %max3A_138 : vector<1x256xf32> to vector<1x256xbf16>
      %get3A_140 = arith.constant 0 : index
      %get3A_141 = arith.constant 0 : index
      %get3A_142 = vector.load %arg22[%get3A_140, %get3A_141] : memref<256x512xf32, #tpu.memory_space<vmem>>, vector<256x512xf32>
      %convert_element_type3A_143 = arith.truncf %get3A_142 : vector<256x512xf32> to vector<256x512xbf16>
      %dot_general3A_144 = arith.constant dense<0.000000e+00> : vector<1x512xf32>
      %dot_general3A_145 = tpu.matmul %convert_element_type3A_139, %convert_element_type3A_143, %dot_general3A_144 {dimension_numbers = #tpu.dot_dimension_numbers<[1], [0], [0], [1], [0, 0, 1, 1], [], []>, transpose_lhs_hint = false} : vector<1x256xbf16>, vector<256x512xbf16>, vector<1x512xf32> -> vector<1x512xf32>
      %get3A_146 = arith.constant 0 : index
      %get3A_147 = arith.constant 0 : index
      %get3A_148 = vector.load %arg25[%get3A_146, %get3A_147] : memref<1x512xf32, #tpu.memory_space<vmem>>, vector<1x512xf32>
      %add3A_149 = arith.addf %dot_general3A_145, %get3A_148 : vector<1x512xf32>
      %get3A_150 = arith.constant 0 : index
      %get3A_151 = arith.constant 0 : index
      %get3A_152 = vector.load %arg23[%get3A_150, %get3A_151] : memref<256x512xf32, #tpu.memory_space<vmem>>, vector<256x512xf32>
      %convert_element_type3A_153 = arith.truncf %get3A_152 : vector<256x512xf32> to vector<256x512xbf16>
      %dot_general3A_154 = arith.constant dense<0.000000e+00> : vector<1x512xf32>
      %dot_general3A_155 = tpu.matmul %convert_element_type3A_139, %convert_element_type3A_153, %dot_general3A_154 {dimension_numbers = #tpu.dot_dimension_numbers<[1], [0], [0], [1], [0, 0, 1, 1], [], []>, transpose_lhs_hint = false} : vector<1x256xbf16>, vector<256x512xbf16>, vector<1x512xf32> -> vector<1x512xf32>
      %get3A_156 = arith.constant 0 : index
      %get3A_157 = arith.constant 0 : index
      %get3A_158 = vector.load %arg26[%get3A_156, %get3A_157] : memref<1x512xf32, #tpu.memory_space<vmem>>, vector<1x512xf32>
      %add3A_159 = arith.addf %dot_general3A_155, %get3A_158 : vector<1x512xf32>
      %get3A_160 = arith.constant 0 : index
      %get3A_161 = arith.constant 0 : index
      %get3A_162 = vector.load %arg24[%get3A_160, %get3A_161] : memref<256x512xf32, #tpu.memory_space<vmem>>, vector<256x512xf32>
      %convert_element_type3A_163 = arith.truncf %get3A_162 : vector<256x512xf32> to vector<256x512xbf16>
      %dot_general3A_164 = arith.constant dense<0.000000e+00> : vector<1x512xf32>
      %dot_general3A_165 = tpu.matmul %convert_element_type3A_139, %convert_element_type3A_163, %dot_general3A_164 {dimension_numbers = #tpu.dot_dimension_numbers<[1], [0], [0], [1], [0, 0, 1, 1], [], []>, transpose_lhs_hint = false} : vector<1x256xbf16>, vector<256x512xbf16>, vector<1x512xf32> -> vector<1x512xf32>
      %get3A_166 = arith.constant 0 : index
      %get3A_167 = arith.constant 0 : index
      %get3A_168 = vector.load %arg27[%get3A_166, %get3A_167] : memref<1x512xf32, #tpu.memory_space<vmem>>, vector<1x512xf32>
      %add3A_169 = arith.addf %dot_general3A_165, %get3A_168 : vector<1x512xf32>
      %mul3A_170 = arith.mulf %add3A_149, %add3A_149 : vector<1x512xf32>
      %mul3A_171 = arith.mulf %add3A_159, %add3A_159 : vector<1x512xf32>
      %add3A_172 = arith.addf %mul3A_170, %mul3A_171 : vector<1x512xf32>
      %mul3A_173 = arith.mulf %add3A_169, %add3A_169 : vector<1x512xf32>
      %add3A_174 = arith.addf %add3A_172, %mul3A_173 : vector<1x512xf32>
      %convert_element_type3A_175 = arith.truncf %add3A_149 : vector<1x512xf32> to vector<1x512xbf16>
      %convert_element_type3A_176 = arith.extf %convert_element_type3A_175 : vector<1x512xbf16> to vector<1x512xf32>
      %convert_element_type3A_177 = arith.truncf %add3A_159 : vector<1x512xf32> to vector<1x512xbf16>
      %convert_element_type3A_178 = arith.extf %convert_element_type3A_177 : vector<1x512xbf16> to vector<1x512xf32>
      %convert_element_type3A_179 = arith.truncf %add3A_169 : vector<1x512xf32> to vector<1x512xbf16>
      %convert_element_type3A_180 = arith.extf %convert_element_type3A_179 : vector<1x512xbf16> to vector<1x512xf32>
      %iota3A = tpu.iota {dimensions = array<i32: 0>} : vector<512x512xi32>
      %iota3A_181 = tpu.iota {dimensions = array<i32: 1>} : vector<512x512xi32>
      %eq3A_182 = arith.cmpi eq, %iota3A, %iota3A_181 : vector<512x512xi32>
      %add3A_183 = arith.addf %convert_element_type3A_176, %convert_element_type3A_176 : vector<1x512xf32>
      %jit3A_184 = arith.constant 0.000000e+00 : f32
      %broadcast_in_dim3A = vector.shape_cast %add3A_183 : vector<1x512xf32> to vector<1x512xf32>
      %broadcast_in_dim3A_185 = vector.broadcast %broadcast_in_dim3A : vector<1x512xf32> to vector<512x512xf32>
      %broadcast_in_dim3A_186 = vector.broadcast %jit3A_184 : f32 to vector<512x512xf32>
      %select_n3A_187 = arith.select %eq3A_182, %broadcast_in_dim3A_185, %broadcast_in_dim3A_186 : vector<512x512xi1>, vector<512x512xf32>
      %reduce_sum3A = arith.constant dense<0.000000e+00> : vector<512xf32>
      %reduce_sum3A_188 = vector.multi_reduction <add>, %select_n3A_187, %reduce_sum3A [1] : vector<512x512xf32> to vector<512xf32>
      %broadcast_in_dim3A_189 = vector.shape_cast %reduce_sum3A_188 : vector<512xf32> to vector<512x1xf32>
      %swap3A = arith.constant 0 : index
      %swap3A_190 = arith.constant 0 : index
      %swap3A_191 = vector.load %arg30[%swap3A, %swap3A_190] : memref<512x4xf32, #tpu.memory_space<vmem>>, vector<512x1xf32>
      tpu.vector_store %arg30[%swap3A, %swap3A_190], %broadcast_in_dim3A_189 {strides = array<i32>} : memref<512x4xf32, #tpu.memory_space<vmem>>, vector<512x1xf32>,
      %add3A_192 = arith.addf %convert_element_type3A_178, %convert_element_type3A_178 : vector<1x512xf32>
      %jit3A_193 = arith.constant 0.000000e+00 : f32
      %broadcast_in_dim3A_194 = vector.shape_cast %add3A_192 : vector<1x512xf32> to vector<1x512xf32>
      %broadcast_in_dim3A_195 = vector.broadcast %broadcast_in_dim3A_194 : vector<1x512xf32> to vector<512x512xf32>
      %broadcast_in_dim3A_196 = vector.broadcast %jit3A_193 : f32 to vector<512x512xf32>
      %select_n3A_197 = arith.select %eq3A_182, %broadcast_in_dim3A_195, %broadcast_in_dim3A_196 : vector<512x512xi1>, vector<512x512xf32>
      %reduce_sum3A_198 = arith.constant dense<0.000000e+00> : vector<512xf32>
      %reduce_sum3A_199 = vector.multi_reduction <add>, %select_n3A_197, %reduce_sum3A_198 [1] : vector<512x512xf32> to vector<512xf32>
      %broadcast_in_dim3A_200 = vector.shape_cast %reduce_sum3A_199 : vector<512xf32> to vector<512x1xf32>
      %swap3A_201 = arith.constant 0 : index
      %swap3A_202 = arith.constant 1 : index
      %swap3A_203 = vector.load %arg30[%swap3A_201, %swap3A_202] : memref<512x4xf32, #tpu.memory_space<vmem>>, vector<512x1xf32>
      tpu.vector_store %arg30[%swap3A_201, %swap3A_202], %broadcast_in_dim3A_200 {strides = array<i32>} : memref<512x4xf32, #tpu.memory_space<vmem>>, vector<512x1xf32>,
      %add3A_204 = arith.addf %convert_element_type3A_180, %convert_element_type3A_180 : vector<1x512xf32>
      %jit3A_205 = arith.constant 0.000000e+00 : f32
      %broadcast_in_dim3A_206 = vector.shape_cast %add3A_204 : vector<1x512xf32> to vector<1x512xf32>
      %broadcast_in_dim3A_207 = vector.broadcast %broadcast_in_dim3A_206 : vector<1x512xf32> to vector<512x512xf32>
      %broadcast_in_dim3A_208 = vector.broadcast %jit3A_205 : f32 to vector<512x512xf32>
      %select_n3A_209 = arith.select %eq3A_182, %broadcast_in_dim3A_207, %broadcast_in_dim3A_208 : vector<512x512xi1>, vector<512x512xf32>
      %reduce_sum3A_210 = arith.constant dense<0.000000e+00> : vector<512xf32>
      %reduce_sum3A_211 = vector.multi_reduction <add>, %select_n3A_209, %reduce_sum3A_210 [1] : vector<512x512xf32> to vector<512xf32>
      %broadcast_in_dim3A_212 = vector.shape_cast %reduce_sum3A_211 : vector<512xf32> to vector<512x1xf32>
      %swap3A_213 = arith.constant 0 : index
      %swap3A_214 = arith.constant 2 : index
      %swap3A_215 = vector.load %arg30[%swap3A_213, %swap3A_214] : memref<512x4xf32, #tpu.memory_space<vmem>>, vector<512x1xf32>
      tpu.vector_store %arg30[%swap3A_213, %swap3A_214], %broadcast_in_dim3A_212 {strides = array<i32>} : memref<512x4xf32, #tpu.memory_space<vmem>>, vector<512x1xf32>,
      %jit3A_216 = arith.constant 0.000000e+00 : f32
      %broadcast_in_dim3A_217 = vector.shape_cast %add3A_174 : vector<1x512xf32> to vector<1x512xf32>
      %broadcast_in_dim3A_218 = vector.broadcast %broadcast_in_dim3A_217 : vector<1x512xf32> to vector<512x512xf32>
      %broadcast_in_dim3A_219 = vector.broadcast %jit3A_216 : f32 to vector<512x512xf32>
      %select_n3A_220 = arith.select %eq3A_182, %broadcast_in_dim3A_218, %broadcast_in_dim3A_219 : vector<512x512xi1>, vector<512x512xf32>
      %reduce_sum3A_221 = arith.constant dense<0.000000e+00> : vector<512xf32>
      %reduce_sum3A_222 = vector.multi_reduction <add>, %select_n3A_220, %reduce_sum3A_221 [1] : vector<512x512xf32> to vector<512xf32>
      %broadcast_in_dim3A_223 = vector.shape_cast %reduce_sum3A_222 : vector<512xf32> to vector<512x1xf32>
      %swap3A_224 = arith.constant 0 : index
      %swap3A_225 = arith.constant 3 : index
      %swap3A_226 = vector.load %arg30[%swap3A_224, %swap3A_225] : memref<512x4xf32, #tpu.memory_space<vmem>>, vector<512x1xf32>
      tpu.vector_store %arg30[%swap3A_224, %swap3A_225], %broadcast_in_dim3A_223 {strides = array<i32>} : memref<512x4xf32, #tpu.memory_space<vmem>>, vector<512x1xf32>,
    } else {
    }
    %gt3A_18 = arith.constant 0 : i32
    %gt3A_19 = arith.cmpi sgt, %arg0, %gt3A_18 : i32
    %convert_element_type3A_20 = arith.extui %gt3A_19 : i1 to i32
    %cond3A_21 = arith.constant 0 : i32
    %cond3A_22 = arith.cmpi ne, %convert_element_type3A_20, %cond3A_21 : i32
    scf.if %cond3A_22 {
      %mul3A = arith.constant 4096 : i32
      %mul3A_23 = arith.muli %arg1, %mul3A : i32
      %get3A = arith.constant 0 : index
      %get3A_24 = arith.constant 0 : index
      %get3A_25 = arith.index_cast %mul3A_23 : i32 to index
      %get3A_26 = vector.load %arg3[%get3A, %get3A_24, %get3A_25] : memref<1x3x8192xf32, #tpu.memory_space<vmem>>, vector<1x1x4096xf32>
      %get3A_27 = vector.shape_cast %get3A_26 : vector<1x1x4096xf32> to vector<1x4096xf32>
      %mul3A_28 = arith.constant 4096 : i32
      %mul3A_29 = arith.muli %arg1, %mul3A_28 : i32
      %get3A_30 = arith.constant 0 : index
      %get3A_31 = arith.constant 1 : index
      %get3A_32 = arith.index_cast %mul3A_29 : i32 to index
      %get3A_33 = vector.load %arg3[%get3A_30, %get3A_31, %get3A_32] : memref<1x3x8192xf32, #tpu.memory_space<vmem>>, vector<1x1x4096xf32>
      %get3A_34 = vector.shape_cast %get3A_33 : vector<1x1x4096xf32> to vector<1x4096xf32>
      %mul3A_35 = arith.constant 4096 : i32
      %mul3A_36 = arith.muli %arg1, %mul3A_35 : i32
      %get3A_37 = arith.constant 0 : index
      %get3A_38 = arith.constant 2 : index
      %get3A_39 = arith.index_cast %mul3A_36 : i32 to index
      %get3A_40 = vector.load %arg3[%get3A_37, %get3A_38, %get3A_39] : memref<1x3x8192xf32, #tpu.memory_space<vmem>>, vector<1x1x4096xf32>
      %get3A_41 = vector.shape_cast %get3A_40 : vector<1x1x4096xf32> to vector<1x4096xf32>
      %mul3A_42 = arith.mulf %get3A_27, %get3A_27 : vector<1x4096xf32>
      %mul3A_43 = arith.mulf %get3A_34, %get3A_34 : vector<1x4096xf32>
      %add3A_44 = arith.addf %mul3A_42, %mul3A_43 : vector<1x4096xf32>
      %mul3A_45 = arith.mulf %get3A_41, %get3A_41 : vector<1x4096xf32>
      %add3A_46 = arith.addf %add3A_44, %mul3A_45 : vector<1x4096xf32>
      %bitcast_convert_type3A = tpu.bitcast %get3A_27 : vector<1x4096xf32> -> vector<1x4096xi32>
      %add3A_47 = arith.constant 32767 : i32
      %add3A_48 = vector.broadcast %add3A_47 : i32 to vector<1x4096xi32>
      %add3A_49 = arith.addi %bitcast_convert_type3A, %add3A_48 : vector<1x4096xi32>
      %shift_right_logical3A = arith.constant 16 : i32
      %shift_right_logical3A_50 = vector.broadcast %shift_right_logical3A : i32 to vector<1x4096xi32>
      %shift_right_logical3A_51 = arith.shrui %bitcast_convert_type3A, %shift_right_logical3A_50 : vector<1x4096xi32>
      %and3A_52 = arith.constant 1 : i32
      %and3A_53 = vector.broadcast %and3A_52 : i32 to vector<1x4096xi32>
      %and3A_54 = arith.andi %shift_right_logical3A_51, %and3A_53 : vector<1x4096xi32>
      %add3A_55 = arith.addi %add3A_49, %and3A_54 : vector<1x4096xi32>
      %and3A_56 = arith.constant -65536 : i32
      %and3A_57 = vector.broadcast %and3A_56 : i32 to vector<1x4096xi32>
      %and3A_58 = arith.andi %add3A_55, %and3A_57 : vector<1x4096xi32>
      %bitcast_convert_type3A_59 = tpu.bitcast %and3A_58 : vector<1x4096xi32> -> vector<1x4096xf32>
      %bitcast_convert_type3A_60 = tpu.bitcast %get3A_34 : vector<1x4096xf32> -> vector<1x4096xi32>
      %add3A_61 = arith.constant 32767 : i32
      %add3A_62 = vector.broadcast %add3A_61 : i32 to vector<1x4096xi32>
      %add3A_63 = arith.addi %bitcast_convert_type3A_60, %add3A_62 : vector<1x4096xi32>
      %shift_right_logical3A_64 = arith.constant 16 : i32
      %shift_right_logical3A_65 = vector.broadcast %shift_right_logical3A_64 : i32 to vector<1x4096xi32>
      %shift_right_logical3A_66 = arith.shrui %bitcast_convert_type3A_60, %shift_right_logical3A_65 : vector<1x4096xi32>
      %and3A_67 = arith.constant 1 : i32
      %and3A_68 = vector.broadcast %and3A_67 : i32 to vector<1x4096xi32>
      %and3A_69 = arith.andi %shift_right_logical3A_66, %and3A_68 : vector<1x4096xi32>
      %add3A_70 = arith.addi %add3A_63, %and3A_69 : vector<1x4096xi32>
      %and3A_71 = arith.constant -65536 : i32
      %and3A_72 = vector.broadcast %and3A_71 : i32 to vector<1x4096xi32>
      %and3A_73 = arith.andi %add3A_70, %and3A_72 : vector<1x4096xi32>
      %bitcast_convert_type3A_74 = tpu.bitcast %and3A_73 : vector<1x4096xi32> -> vector<1x4096xf32>
      %bitcast_convert_type3A_75 = tpu.bitcast %get3A_41 : vector<1x4096xf32> -> vector<1x4096xi32>
      %add3A_76 = arith.constant 32767 : i32
      %add3A_77 = vector.broadcast %add3A_76 : i32 to vector<1x4096xi32>
      %add3A_78 = arith.addi %bitcast_convert_type3A_75, %add3A_77 : vector<1x4096xi32>
      %shift_right_logical3A_79 = arith.constant 16 : i32
      %shift_right_logical3A_80 = vector.broadcast %shift_right_logical3A_79 : i32 to vector<1x4096xi32>
      %shift_right_logical3A_81 = arith.shrui %bitcast_convert_type3A_75, %shift_right_logical3A_80 : vector<1x4096xi32>
      %and3A_82 = arith.constant 1 : i32
      %and3A_83 = vector.broadcast %and3A_82 : i32 to vector<1x4096xi32>
      %and3A_84 = arith.andi %shift_right_logical3A_81, %and3A_83 : vector<1x4096xi32>
      %add3A_85 = arith.addi %add3A_78, %and3A_84 : vector<1x4096xi32>
      %and3A_86 = arith.constant -65536 : i32
      %and3A_87 = vector.broadcast %and3A_86 : i32 to vector<1x4096xi32>
      %and3A_88 = arith.andi %add3A_85, %and3A_87 : vector<1x4096xi32>
      %bitcast_convert_type3A_89 = tpu.bitcast %and3A_88 : vector<1x4096xi32> -> vector<1x4096xf32>
      %get3A_90 = arith.constant 0 : index
      %get3A_91 = arith.constant 0 : index
      %get3A_92 = vector.load %arg30[%get3A_90, %get3A_91] : memref<512x4xf32, #tpu.memory_space<vmem>>, vector<512x1xf32>
      %get3A_93 = arith.constant 0 : index
      %get3A_94 = arith.constant 1 : index
      %get3A_95 = vector.load %arg30[%get3A_93, %get3A_94] : memref<512x4xf32, #tpu.memory_space<vmem>>, vector<512x1xf32>
      %get3A_96 = arith.constant 0 : index
      %get3A_97 = arith.constant 2 : index
      %get3A_98 = vector.load %arg30[%get3A_96, %get3A_97] : memref<512x4xf32, #tpu.memory_space<vmem>>, vector<512x1xf32>
      %get3A_99 = arith.constant 0 : index
      %get3A_100 = arith.constant 3 : index
      %get3A_101 = vector.load %arg30[%get3A_99, %get3A_100] : memref<512x4xf32, #tpu.memory_space<vmem>>, vector<512x1xf32>
      %mul3A_102 = vector.broadcast %get3A_92 : vector<512x1xf32> to vector<512x4096xf32>
      %mul3A_103 = vector.broadcast %bitcast_convert_type3A_59 : vector<1x4096xf32> to vector<512x4096xf32>
      %mul3A_104 = arith.mulf %mul3A_102, %mul3A_103 : vector<512x4096xf32>
      %mul3A_105 = vector.broadcast %get3A_95 : vector<512x1xf32> to vector<512x4096xf32>
      %mul3A_106 = vector.broadcast %bitcast_convert_type3A_74 : vector<1x4096xf32> to vector<512x4096xf32>
      %mul3A_107 = arith.mulf %mul3A_105, %mul3A_106 : vector<512x4096xf32>
      %add3A_108 = arith.addf %mul3A_104, %mul3A_107 : vector<512x4096xf32>
      %mul3A_109 = vector.broadcast %get3A_98 : vector<512x1xf32> to vector<512x4096xf32>
      %mul3A_110 = vector.broadcast %bitcast_convert_type3A_89 : vector<1x4096xf32> to vector<512x4096xf32>
      %mul3A_111 = arith.mulf %mul3A_109, %mul3A_110 : vector<512x4096xf32>
      %add3A_112 = arith.addf %add3A_108, %mul3A_111 : vector<512x4096xf32>
      %add3A_113 = vector.broadcast %get3A_101 : vector<512x1xf32> to vector<512x4096xf32>
      %add3A_114 = vector.broadcast %add3A_46 : vector<1x4096xf32> to vector<512x4096xf32>
      %add3A_115 = arith.addf %add3A_113, %add3A_114 : vector<512x4096xf32>
      %sub3A = arith.subf %add3A_115, %add3A_112 : vector<512x4096xf32>
      %reduce_min3A = arith.constant dense<0x7F800000> : vector<512xf32>
      %reduce_min3A_116 = vector.multi_reduction <minimumf>, %sub3A, %reduce_min3A [1] : vector<512x4096xf32> to vector<512xf32>
      %broadcast_in_dim3A = vector.shape_cast %reduce_min3A_116 : vector<512xf32> to vector<512x1xf32>
      %iota3A = tpu.iota {dimensions = array<i32: 1>} : vector<512x4096xi32>
      %eq3A_117 = vector.broadcast %broadcast_in_dim3A : vector<512x1xf32> to vector<512x4096xf32>
      %eq3A_118 = arith.cmpf oeq, %sub3A, %eq3A_117 : vector<512x4096xf32>
      %jit3A_119 = arith.constant 8192 : i32
      %broadcast_in_dim3A_120 = vector.broadcast %jit3A_119 : i32 to vector<512x4096xi32>
      %select_n3A_121 = arith.select %eq3A_118, %iota3A, %broadcast_in_dim3A_120 : vector<512x4096xi1>, vector<512x4096xi32>
      %reduce_min3A_122 = arith.constant dense<2147483647> : vector<512xi32>
      %reduce_min3A_123 = vector.multi_reduction <minsi>, %select_n3A_121, %reduce_min3A_122 [1] : vector<512x4096xi32> to vector<512xi32>
      %broadcast_in_dim3A_124 = vector.shape_cast %reduce_min3A_123 : vector<512xi32> to vector<512x1xi32>
      %mul3A_125 = arith.constant 4096 : i32
      %mul3A_126 = arith.muli %arg1, %mul3A_125 : i32
      %add3A_127 = vector.broadcast %mul3A_126 : i32 to vector<512x1xi32>
      %add3A_128 = arith.addi %broadcast_in_dim3A_124, %add3A_127 : vector<512x1xi32>
      %eq3A_129 = arith.constant 0 : i32
      %eq3A_130 = arith.cmpi eq, %arg1, %eq3A_129 : i32
      %convert_element_type3A_131 = arith.extui %eq3A_130 : i1 to i32
      %cond3A_132 = arith.constant 0 : i32
      %cond3A_133 = arith.cmpi ne, %convert_element_type3A_131, %cond3A_132 : i32
      scf.if %cond3A_133 {
        %swap3A = arith.constant 0 : index
        %swap3A_144 = arith.constant 0 : index
        %swap3A_145 = vector.load %arg31[%swap3A, %swap3A_144] : memref<512x1xf32, #tpu.memory_space<vmem>>, vector<512x1xf32>
        tpu.vector_store %arg31[%swap3A, %swap3A_144], %broadcast_in_dim3A {strides = array<i32>} : memref<512x1xf32, #tpu.memory_space<vmem>>, vector<512x1xf32>,
        %swap3A_146 = arith.constant 0 : index
        %swap3A_147 = arith.constant 0 : index
        %swap3A_148 = vector.load %arg32[%swap3A_146, %swap3A_147] : memref<512x1xi32, #tpu.memory_space<vmem>>, vector<512x1xi32>
        tpu.vector_store %arg32[%swap3A_146, %swap3A_147], %add3A_128 {strides = array<i32>} : memref<512x1xi32, #tpu.memory_space<vmem>>, vector<512x1xi32>,
      } else {
      }
      %ne3A_134 = arith.constant 0 : i32
      %ne3A_135 = arith.cmpi ne, %arg1, %ne3A_134 : i32
      %convert_element_type3A_136 = arith.extui %ne3A_135 : i1 to i32
      %cond3A_137 = arith.constant 0 : i32
      %cond3A_138 = arith.cmpi ne, %convert_element_type3A_136, %cond3A_137 : i32
      scf.if %cond3A_138 {
        %get3A_144 = arith.constant 0 : index
        %get3A_145 = arith.constant 0 : index
        %get3A_146 = vector.load %arg31[%get3A_144, %get3A_145] : memref<512x1xf32, #tpu.memory_space<vmem>>, vector<512x1xf32>
        %lt3A_147 = arith.cmpf olt, %broadcast_in_dim3A, %get3A_146 : vector<512x1xf32>
        %get3A_148 = arith.constant 0 : index
        %get3A_149 = arith.constant 0 : index
        %get3A_150 = vector.load %arg31[%get3A_148, %get3A_149] : memref<512x1xf32, #tpu.memory_space<vmem>>, vector<512x1xf32>
        %select_n3A_151 = arith.select %lt3A_147, %broadcast_in_dim3A, %get3A_150 : vector<512x1xi1>, vector<512x1xf32>
        %swap3A = arith.constant 0 : index
        %swap3A_152 = arith.constant 0 : index
        %swap3A_153 = vector.load %arg31[%swap3A, %swap3A_152] : memref<512x1xf32, #tpu.memory_space<vmem>>, vector<512x1xf32>
        tpu.vector_store %arg31[%swap3A, %swap3A_152], %select_n3A_151 {strides = array<i32>} : memref<512x1xf32, #tpu.memory_space<vmem>>, vector<512x1xf32>,
        %get3A_154 = arith.constant 0 : index
        %get3A_155 = arith.constant 0 : index
        %get3A_156 = vector.load %arg32[%get3A_154, %get3A_155] : memref<512x1xi32, #tpu.memory_space<vmem>>, vector<512x1xi32>
        %select_n3A_157 = arith.select %lt3A_147, %add3A_128, %get3A_156 : vector<512x1xi1>, vector<512x1xi32>
        %swap3A_158 = arith.constant 0 : index
        %swap3A_159 = arith.constant 0 : index
        %swap3A_160 = vector.load %arg32[%swap3A_158, %swap3A_159] : memref<512x1xi32, #tpu.memory_space<vmem>>, vector<512x1xi32>
        tpu.vector_store %arg32[%swap3A_158, %swap3A_159], %select_n3A_157 {strides = array<i32>} : memref<512x1xi32, #tpu.memory_space<vmem>>, vector<512x1xi32>,
      } else {
      }
      %eq3A_139 = arith.constant 1 : i32
      %eq3A_140 = arith.cmpi eq, %arg1, %eq3A_139 : i32
      %convert_element_type3A_141 = arith.extui %eq3A_140 : i1 to i32
      %cond3A_142 = arith.constant 0 : i32
      %cond3A_143 = arith.cmpi ne, %convert_element_type3A_141, %cond3A_142 : i32
      scf.if %cond3A_143 {
        %get3A_144 = arith.constant 0 : index
        %get3A_145 = arith.constant 0 : index
        %get3A_146 = vector.load %arg32[%get3A_144, %get3A_145] : memref<512x1xi32, #tpu.memory_space<vmem>>, vector<512x1xi32>
        %swap3A = arith.constant 0 : index
        %swap3A_147 = arith.constant 0 : index
        %swap3A_148 = arith.constant 0 : index
        %swap3A_149 = vector.load %arg28[%swap3A, %swap3A_147, %swap3A_148] : memref<1x512x1xi32, #tpu.memory_space<vmem>>, vector<1x512x1xi32>
        %swap3A_150 = vector.shape_cast %swap3A_149 : vector<1x512x1xi32> to vector<512x1xi32>
        %swap3A_151 = vector.shape_cast %get3A_146 : vector<512x1xi32> to vector<1x512x1xi32>
        tpu.vector_store %arg28[%swap3A, %swap3A_147, %swap3A_148], %swap3A_151 {strides = array<i32>} : memref<1x512x1xi32, #tpu.memory_space<vmem>>, vector<1x512x1xi32>,
      } else {
      }
    } else {
    }
    return
  }
  func.func @transform_0(%arg0: i32, %arg1: i32) -> (i32, i32, i32) {
    %min3A = arith.constant 7 : i32
    %min3A_0 = arith.minsi %arg0, %min3A : i32
    %c0_i32 = arith.constant 0 : i32
    %c0_i32_1 = arith.constant 0 : i32
    return %min3A_0, %arg1, %c0_i32 : i32, i32, i32
  }
  func.func @transform_1(%arg0: i32, %arg1: i32) -> (i32, i32, i32) {
    %sub3A = arith.constant 1 : i32
    %sub3A_0 = arith.subi %arg0, %sub3A : i32
    %max3A = arith.constant 0 : i32
    %max3A_1 = arith.maxsi %sub3A_0, %max3A : i32
    %c0_i32 = arith.constant 0 : i32
    %c0_i32_2 = arith.constant 0 : i32
    %c0_i32_3 = arith.constant 0 : i32
    return %max3A_1, %c0_i32, %c0_i32_2 : i32, i32, i32
  }
  func.func @transform_2(%arg0: i32, %arg1: i32) -> (i32, i32) {
    %c0_i32 = arith.constant 0 : i32
    %c0_i32_0 = arith.constant 0 : i32
    %c0_i32_1 = arith.constant 0 : i32
    return %c0_i32, %c0_i32_0 : i32, i32
  }
  func.func @transform_3(%arg0: i32, %arg1: i32) -> (i32, i32) {
    %c0_i32 = arith.constant 0 : i32
    %c0_i32_0 = arith.constant 0 : i32
    %c0_i32_1 = arith.constant 0 : i32
    return %c0_i32, %c0_i32_0 : i32, i32
  }
  func.func @transform_4(%arg0: i32, %arg1: i32) -> (i32, i32) {
    %c0_i32 = arith.constant 0 : i32
    %c0_i32_0 = arith.constant 0 : i32
    %c0_i32_1 = arith.constant 0 : i32
    return %c0_i32, %c0_i32_0 : i32, i32
  }
  func.func @transform_5(%arg0: i32, %arg1: i32) -> (i32, i32) {
    %c0_i32 = arith.constant 0 : i32
    %c0_i32_0 = arith.constant 0 : i32
    %c0_i32_1 = arith.constant 0 : i32
    return %c0_i32, %c0_i32_0 : i32, i32
  }
  func.func @transform_6(%arg0: i32, %arg1: i32) -> (i32, i32) {
    %c0_i32 = arith.constant 0 : i32
    %c0_i32_0 = arith.constant 0 : i32
    %c0_i32_1 = arith.constant 0 : i32
    return %c0_i32, %c0_i32_0 : i32, i32
  }
  func.func @transform_7(%arg0: i32, %arg1: i32) -> (i32, i32) {
    %c0_i32 = arith.constant 0 : i32
    %c0_i32_0 = arith.constant 0 : i32
    %c0_i32_1 = arith.constant 0 : i32
    return %c0_i32, %c0_i32_0 : i32, i32
  }
  func.func @transform_8(%arg0: i32, %arg1: i32) -> (i32, i32) {
    %c0_i32 = arith.constant 0 : i32
    %c0_i32_0 = arith.constant 0 : i32
    %c0_i32_1 = arith.constant 0 : i32
    return %c0_i32, %c0_i32_0 : i32, i32
  }
  func.func @transform_9(%arg0: i32, %arg1: i32) -> (i32, i32) {
    %c0_i32 = arith.constant 0 : i32
    %c0_i32_0 = arith.constant 0 : i32
    %c0_i32_1 = arith.constant 0 : i32
    return %c0_i32, %c0_i32_0 : i32, i32
  }
  func.func @transform_10(%arg0: i32, %arg1: i32) -> (i32, i32) {
    %c0_i32 = arith.constant 0 : i32
    %c0_i32_0 = arith.constant 0 : i32
    %c0_i32_1 = arith.constant 0 : i32
    return %c0_i32, %c0_i32_0 : i32, i32
  }
  func.func @transform_11(%arg0: i32, %arg1: i32) -> (i32, i32) {
    %c0_i32 = arith.constant 0 : i32
    %c0_i32_0 = arith.constant 0 : i32
    %c0_i32_1 = arith.constant 0 : i32
    return %c0_i32, %c0_i32_0 : i32, i32
  }
  func.func @transform_12(%arg0: i32, %arg1: i32) -> (i32, i32) {
    %c0_i32 = arith.constant 0 : i32
    %c0_i32_0 = arith.constant 0 : i32
    %c0_i32_1 = arith.constant 0 : i32
    return %c0_i32, %c0_i32_0 : i32, i32
  }
  func.func @transform_13(%arg0: i32, %arg1: i32) -> (i32, i32) {
    %c0_i32 = arith.constant 0 : i32
    %c0_i32_0 = arith.constant 0 : i32
    %c0_i32_1 = arith.constant 0 : i32
    return %c0_i32, %c0_i32_0 : i32, i32
  }
  func.func @transform_14(%arg0: i32, %arg1: i32) -> (i32, i32) {
    %c0_i32 = arith.constant 0 : i32
    %c0_i32_0 = arith.constant 0 : i32
    %c0_i32_1 = arith.constant 0 : i32
    return %c0_i32, %c0_i32_0 : i32, i32
  }
  func.func @transform_15(%arg0: i32, %arg1: i32) -> (i32, i32) {
    %c0_i32 = arith.constant 0 : i32
    %c0_i32_0 = arith.constant 0 : i32
    %c0_i32_1 = arith.constant 0 : i32
    return %c0_i32, %c0_i32_0 : i32, i32
  }
  func.func @transform_16(%arg0: i32, %arg1: i32) -> (i32, i32) {
    %c0_i32 = arith.constant 0 : i32
    %c0_i32_0 = arith.constant 0 : i32
    %c0_i32_1 = arith.constant 0 : i32
    return %c0_i32, %c0_i32_0 : i32, i32
  }
  func.func @transform_17(%arg0: i32, %arg1: i32) -> (i32, i32) {
    %c0_i32 = arith.constant 0 : i32
    %c0_i32_0 = arith.constant 0 : i32
    %c0_i32_1 = arith.constant 0 : i32
    return %c0_i32, %c0_i32_0 : i32, i32
  }
  func.func @transform_18(%arg0: i32, %arg1: i32) -> (i32, i32) {
    %c0_i32 = arith.constant 0 : i32
    %c0_i32_0 = arith.constant 0 : i32
    %c0_i32_1 = arith.constant 0 : i32
    return %c0_i32, %c0_i32_0 : i32, i32
  }
  func.func @transform_19(%arg0: i32, %arg1: i32) -> (i32, i32) {
    %c0_i32 = arith.constant 0 : i32
    %c0_i32_0 = arith.constant 0 : i32
    %c0_i32_1 = arith.constant 0 : i32
    return %c0_i32, %c0_i32_0 : i32, i32
  }
  func.func @transform_20(%arg0: i32, %arg1: i32) -> (i32, i32) {
    %c0_i32 = arith.constant 0 : i32
    %c0_i32_0 = arith.constant 0 : i32
    %c0_i32_1 = arith.constant 0 : i32
    return %c0_i32, %c0_i32_0 : i32, i32
  }
  func.func @transform_21(%arg0: i32, %arg1: i32) -> (i32, i32) {
    %c0_i32 = arith.constant 0 : i32
    %c0_i32_0 = arith.constant 0 : i32
    %c0_i32_1 = arith.constant 0 : i32
    return %c0_i32, %c0_i32_0 : i32, i32
  }
  func.func @transform_22(%arg0: i32, %arg1: i32) -> (i32, i32) {
    %c0_i32 = arith.constant 0 : i32
    %c0_i32_0 = arith.constant 0 : i32
    %c0_i32_1 = arith.constant 0 : i32
    return %c0_i32, %c0_i32_0 : i32, i32
  }
  func.func @transform_23(%arg0: i32, %arg1: i32) -> (i32, i32) {
    %c0_i32 = arith.constant 0 : i32
    %c0_i32_0 = arith.constant 0 : i32
    %c0_i32_1 = arith.constant 0 : i32
    return %c0_i32, %c0_i32_0 : i32, i32
  }
  func.func @transform_24(%arg0: i32, %arg1: i32) -> (i32, i32) {
    %c0_i32 = arith.constant 0 : i32
    %c0_i32_0 = arith.constant 0 : i32
    %c0_i32_1 = arith.constant 0 : i32
    return %c0_i32, %c0_i32_0 : i32, i32
  }
  func.func @transform_25(%arg0: i32, %arg1: i32) -> (i32, i32) {
    %c0_i32 = arith.constant 0 : i32
    %c0_i32_0 = arith.constant 0 : i32
    %c0_i32_1 = arith.constant 0 : i32
    return %c0_i32, %c0_i32_0 : i32, i32
  }
  func.func @transform_26(%arg0: i32, %arg1: i32) -> (i32, i32, i32) {
    %sub3A = arith.constant 1 : i32
    %sub3A_0 = arith.subi %arg0, %sub3A : i32
    %max3A = arith.constant 0 : i32
    %max3A_1 = arith.maxsi %sub3A_0, %max3A : i32
    %c0_i32 = arith.constant 0 : i32
    %c0_i32_2 = arith.constant 0 : i32
    %c0_i32_3 = arith.constant 0 : i32
    return %max3A_1, %c0_i32, %c0_i32_2 : i32, i32, i32
  }
}

</mosaic_0001>

<sc_bundles>
// kernel: kernel.4.cloned.1.call-start
scs
__scs_entry_jumppad:
0x0: {  	(pc) =	sbr.rel $0x88, $3  }
0x1: {  	(tag) =	ssettag $0x0;
	lr =	simm.s32 $0x1  }
0x2: {  	[smem:$0x3F8B] =	sst lr;
	_ =	strace $0xD0000000  }
0x3: {  	_ = 	snop  }
0x4: {  	_ = 	snop  }
0x5: {  	_ = 	snop  }
0x6: {  	_ = 	snop  }
0x7: {  	_ = 	snop  }
__scs_overlays_trampoline_lowered:
0x8: {  	[smem:$0x3F9A] =	sst s0  }
0x9: {  	[smem:$0x3F9B] =	sst s1  }
0xa: {  	[smem:$0x3F9C] =	sst s2  }
0xb: {  	[smem:$0x3F9D] =	sst s3  }
0xc: {  	[smem:$0x3F9E] =	sst s4  }
0xd: {  	[smem:$0x3F9F] =	sst s5  }
0xe: {  	[smem:$0x3FA0] =	sst s6  }
0xf: {  	[smem:$0x3FA1] =	sst s7  }
0x10: {  	[smem:$0x3FA2] =	sst s8  }
0x11: {  	[smem:$0x3FA3] =	sst s9;
	s0 =	simm.s32 @!p0 $0x0  }
0x12: {  	s1 =	sld [smem:$0x3F89];
	s0 =	simm.s32 @p0 $0x1  }
0x13: {  	[smem:$0x3FA4] =	sst s0;
	s0 =	simm.s32 @!p1 $0x0  }
0x14: {  	s2 =	sld [smem:$0x3F88];
	s0 =	simm.s32 @p1 $0x1  }
0x15: {  	[smem:$0x3FA5] =	sst s0;
	s0 =	simm.s32 @!p2 $0x0  }
0x16: {  	s3 =	sld [smem:$0x3FDB];
	s0 =	simm.s32 @p2 $0x1  }
0x17: {  	s4 =	simm.s32 $0x1BF5;
	[smem:$0x3FA7] =	sst s0  }
0x18: {  	s0 =	sld [smem:$0x3F8A];
	_ =	swait.ge [sflag:s4], $0x0  }
0x19: {  	s7 =	sld [smem:$0x3F8B]  }
0x1a: {  	s8 =	sadd.s32 $0xFFFFE003, lr  }
0x1b: {  	s9 =	sadd.s32 $0xFFFFFEF7, lr;
	s5 =	simm.s32 $0xFFFFFFFF;
	p2 =	slt.u32 s8, $0xFFFFF086  }
0x1c: {  	p1 =	slt.u32 s9, $0xF7A;
	s5 =	simm.s32 @!p2 $0x0  }
0x1d: {  	s5 =	simm.s32 @p1 $0x1;
	p0 =	seq.s32 s7, s2  }
0x1e: {  	s7 =	smul.u32 @!p0 $0xF7A, s2;
	p2 =	seq.s32 @!p0 s5, $0x0  }
0x1f: {  	s9 =	smul.u32 $0xF7A, s1;
	s8 =	simm.s32 @!p0 $0x1BF5;
	p2 =	por !p2, p0  }
0x20: {  	[sflag:s8] =	ssyncset.s32 @!p0 $0xFFFFF086;
	s6 =	sadd.s32 @!p0 s3, s7;
	s7 =	simm.s32 @!p0 $0x108  }
0x21: {  	s3 =	sadd.s32 s3, s9;
	s6 =	sadd.s32 @!p0 $0x88, s6;
	s7 =	simm.s32 @p2 $0x1082  }
0x22: {  	[simem:s7], [sflag:s8] =	dma.local @!p0 [hbm:s6], $0xF7A  }
0x23: {  	s9 =	sor.u32 $0xD0000000, s2;
	s6 =	simm.s32 $0x108;
	_ =	swait.ge @!p0 [sflag:s8], $0x0  }
0x24: {  	s3 =	sadd.s32 $0x88, s3;
	s6 =	simm.s32 @!p1 $0x1082;
	[sflag:s4] =	ssyncset.s32 $0xFFFFF086  }
0x25: {  	[simem:s6], [sflag:s4] =	dma.local [hbm:s3], $0xF7A  }
0x26: {  	[smem:$0x3F8B] =	sst s1;
	(tag) =	ssettag s2;
	_ =	strace s9  }
0x27: {  	s1 =	sld [smem:$0x3F9B]  }
0x28: {  	s2 =	sld [smem:$0x3F9C]  }
0x29: {  	s4 =	sld [smem:$0x3F9E]  }
0x2a: {  	p0 =	seq.s32 s5, $0x0;
	s5 =	sld [smem:$0x3F9F]  }
0x2b: {  	s6 =	sld [smem:$0x3FA0]  }
0x2c: {  	s7 =	sld [smem:$0x3FA1]  }
0x2d: {  	s3 =	simm.s32 $0x108;
	s8 =	sld [smem:$0x3FA2]  }
0x2e: {  	s3 =	simm.s32 @!p0 $0x1082;
	s9 =	sld [smem:$0x3FA3]  }
0x2f: {  	lr =	sadd.s32 s0, s3;
	s0 =	sld [smem:$0x3F9A]  }
0x30: {  	s3 =	sld [smem:$0x3F9D]  }
0x31: {  	[smem:$0x3FA6] =	sst s10  }
0x32: {  	s10 =	sld [smem:$0x3FA4];
	_ =	sdelay $0x3  }
0x33: {  	p0 =	seq.s32 s10, $0x1;
	s10 =	sld [smem:$0x3FA6];
	_ =	sdelay $0x3  }
0x34: {  	[smem:$0x3FA6] =	sst s10  }
0x35: {  	s10 =	sld [smem:$0x3FA5];
	_ =	sdelay $0x3  }
0x36: {  	p1 =	seq.s32 s10, $0x1;
	s10 =	sld [smem:$0x3FA6];
	_ =	sdelay $0x3  }
0x37: {  	[smem:$0x3FA6] =	sst s10  }
0x38: {  	s10 =	sld [smem:$0x3FA7]  }
0x39: {  	_ = 	snop;
	(pc) =	sbr.ind lr, $3  }
0x3a: {  	_ = 	snop  }
0x3b: {  	_ = 	snop  }
0x3c: {  	p2 =	seq.s32 s10, $0x1;
	s10 =	sld [smem:$0x3FA6]  }
0x3d: {  	_ =	shalt  }
0x3e: {  	_ =	shalt  }
0x3f: {  	_ =	shalt  }
0x40: {  	_ =	shalt  }
0x41: {  	_ =	shalt  }
0x42: {  	_ =	shalt  }
0x43: {  	_ =	shalt  }
0x44: {  	_ =	shalt  }
0x45: {  	_ =	shalt  }
0x46: {  	_ =	shalt  }
0x47: {  	_ =	shalt  }
0x48: {  	_ =	shalt  }
0x49: {  	_ =	shalt  }
0x4a: {  	_ =	shalt  }
0x4b: {  	_ =	shalt  }
0x4c: {  	_ =	shalt  }
0x4d: {  	_ =	shalt  }
0x4e: {  	_ =	shalt  }
0x4f: {  	_ =	shalt  }
0x50: {  	_ =	shalt  }
0x51: {  	_ =	shalt  }
0x52: {  	_ =	shalt  }
0x53: {  	_ =	shalt  }
0x54: {  	_ =	shalt  }
0x55: {  	_ =	shalt  }
0x56: {  	_ =	shalt  }
0x57: {  	_ =	shalt  }
0x58: {  	_ =	shalt  }
0x59: {  	_ =	shalt  }
0x5a: {  	_ =	shalt  }
0x5b: {  	_ =	shalt  }
0x5c: {  	_ =	shalt  }
0x5d: {  	_ =	shalt  }
0x5e: {  	_ =	shalt  }
0x5f: {  	_ =	shalt  }
0x60: {  	_ =	shalt  }
0x61: {  	_ =	shalt  }
0x62: {  	_ =	shalt  }
0x63: {  	_ =	shalt  }
0x64: {  	_ =	shalt  }
0x65: {  	_ =	shalt  }
0x66: {  	_ =	shalt  }
0x67: {  	_ =	shalt  }
0x68: {  	_ =	shalt  }
0x69: {  	_ =	shalt  }
0x6a: {  	_ =	shalt  }
0x6b: {  	_ =	shalt  }
0x6c: {  	_ =	shalt  }
0x6d: {  	_ =	shalt  }
0x6e: {  	_ =	shalt  }
0x6f: {  	_ =	shalt  }
0x70: {  	_ =	shalt  }
0x71: {  	_ =	shalt  }
0x72: {  	_ =	shalt  }
0x73: {  	_ =	shalt  }
0x74: {  	_ =	shalt  }
0x75: {  	_ =	shalt  }
0x76: {  	_ =	shalt  }
0x77: {  	_ =	shalt  }
0x78: {  	_ =	shalt  }
0x79: {  	_ =	shalt  }
0x7a: {  	_ =	shalt  }
0x7b: {  	_ =	shalt  }
0x7c: {  	_ =	shalt  }
0x7d: {  	_ =	shalt  }
0x7e: {  	_ =	shalt  }
0x7f: {  	_ =	shalt  }
0x80: {  	_ =	shalt  }
0x81: {  	_ =	shalt  }
0x82: {  	_ =	shalt  }
0x83: {  	_ =	shalt  }
0x84: {  	_ =	shalt  }
0x85: {  	_ =	shalt  }
0x86: {  	_ =	shalt  }
0x87: {  	_ =	shalt  }
.Lfunc_end0:
.L_simem_size_0:
called_computation_lowered:
.L_overlay_start_0:
0x88: {  	s2 =	sld [smem:$0x3FD9]  }
0x89: {  	s3 =	sld [smem:$0x3FFE];
	_ =	sdelay $0x1  }
0x8a: {  	s1 =	srdreg.scid  }
0x8b: {  	s0 =	sand.u32 $0x1, s1  }
0x8c: {  	s14 =	sshll.u32 s0, $0xA;
	s2 =	sadd.s32 s3, s2  }
0x8d: {  	s2 =	sadd.s32 s2, s14  }
0x8e: {  	[smem:$0x3FB2] =	sst s2  }
0x8f: {  	_ = 	snop  }
0x90: {  	s2 =	sld [smem:$0x3FD0];
	_ =	sdelay $0x2  }
0x91: {  	s15 =	simm.s32 $0xA;
	s4 =	simm.s32 $0x10  }
0x92: {  	[smem:s4], [sflag:s15] =	dma.local [hbm:s2], $0x1  }
0x93: {  	_ =	swait.eq [sflag:s15], $0x1  }
0x94: {  	[sflag:s15] =	ssyncset.done $0x0  }
0x95: {  	[sflag:s15] =	ssyncadd.s32 $0xFFFFFFFF  }
0x96: {  	s16 =	sld [smem:$0x10];
	(tm) =	ssettm $0x1  }
0x97: {  	s17 =	sld [smem:$0x3FFB];
	_ =	sdelay $0x3  }
0x98: {  	_ =	strace s17  }
0x99: {  	s3 =	sld [smem:$0x3FFC];
	_ =	sdelay $0x3  }
0x9a: {  	_ =	strace s3  }
0x9b: {  	s3 =	sld [smem:$0x3FFD];
	_ =	sdelay $0x3  }
0x9c: {  	_ =	strace s3  }
0x9d: {  	_ =	strace $0x8FFFFFFF  }
0x9e: {  	s18 =	sld [smem:$0x3FDB];
	_ =	sdelay $0x1  }
0x9f: {  	s19 =	simm.s32 $_scs_section_size  }
0xa0: {  	s5 =	simm.s32 $_size__tile_overlayer_lowered;
	s6 =	simm.s32 $_tile_overlayer_lowered  }
0xa1: {  	s22 =	simm.s32 $0x1BFF;
	s21 =	sshll.u32 s6, $0x1;
	s3 =	sadd.s32 s19, s18  }
0xa2: {  	s7 =	simm.s32 $0x0;
	s20 =	sshll.u32 s5, $0x1;
	s5 =	sadd.s32 s21, s3  }
0xa3: {  	[timem:s7], [sflag:s22] =	dma.local [hbm:s5], s20  }
0xa4: {  	_ =	swait.ge [sflag:s22], s20  }
0xa5: {  	s4 =	ssub.s32 $0x0, s20;
	[sflag:s22] =	ssyncset.done $0x0  }
0xa6: {  	[sflag:s22] =	ssyncadd.s32 s4;
	_ =	sdelay $0x1  }
0xa7: {  	s23 =	simm.s32 $0x1B8B  }
0xa8: {  	_ =	swait.ge [sflag:s23], $0x1  }
0xa9: {  	[sflag:s23] =	ssyncset.done $0x0  }
0xaa: {  	s25 =	simm.s32 $0x1B8E;
	s24 =	sld [smem:$0x3FFE];
	[sflag:s23] =	ssyncadd.s32 $0xFFFFFFFF  }
0xab: {  	s26 =	simm.s32 $execute0_lowered;
	[smem:$0x3FD2] =	sst s25  }
0xac: {  	s5 =	sshll.u32 s26, $0x1;
	_ =	strace $0x80000046;
	[dreg:$0x1] =	wrdreg $0xFFFFFFFF  }
0xad: {  	s28 =	simm.s32 $_size_execute0_lowered;
	s3 =	sadd.s32 s3, s5;
	[dreg:$0x0] =	wrdreg $0x0  }
0xae: {  	s5 =	sshll.u32 s28, $0x1;
	[dreg:$0x2] =	wrdreg s3  }
0xaf: {  	[dreg:$0x3] =	wrdreg s5  }
0xb0: {  	[dreg:$0x4] =	wrdreg $0xC0  }
0xb1: {  	_ =	task [dreg:s7], $0x5FFFF  }
0xb2: {  	[dreg:$0x1] =	wrdreg $0xFFFFFFFF  }
0xb3: {  	[dreg:$0x0] =	wrdreg $0x60  }
0xb4: {  	[dreg:$0x2] =	wrdreg s24  }
0xb5: {  	[dreg:$0x3] =	wrdreg s16  }
0xb6: {  	[dreg:$0x4] =	wrdreg $0x9  }
0xb7: {  	_ =	task.clear_ibuf [dreg:s7], $0x5FFFF;
	_ =	strace $0x90000046  }
0xb8: {  	s29 =	simm.s32 $0x9;
	_ =	strace $0x80000048  }
0xb9: {  	_ =	swait.ge [sflag:s29], $0x1  }
0xba: {  	[sflag:s29] =	ssyncadd.s32 $0xFFFFFFFF  }
0xbb: {  	_ =	strace $0x90000048  }
0xbc: {  	_ =	sfence  }
0xbd: {  	s30 =	sld [smem:$0x0];
	_ =	sdelay $0x2  }
0xbe: {  	s31 =	sshll.u32 s1, $0xD;
	s1 =	sshrl.u32 s1, $0x2  }
0xbf: {  	s3 =	sand.u32 $0x4000, s31;
	s1 =	sadd.s32 s1, s30  }
0xc0: {  	s0 =	sor.u32 s3, s0;
	s1 =	sshll.u32 s1, $0x11  }
0xc1: {  	s0 =	sor.u32 s1, s0  }
0xc2: {  	s0 =	sadd.s32 $0x8F2B, s0  }
0xc3: {  	[sflag:s0] =	ssyncadd.remote.s32 $0x1  }
0xc4: {  	_ =	sfence.sel $0xFFFF  }
0xc5: {  	[dreg:$0x0] =	wrdreg $0xFFFFFFFF;
	(pc) =	sbr.abs _section_cstart, $3  }
0xc6: {  	[dreg:$0x1] =	wrdreg $0xFFFFFFFF  }
0xc7: {  	_ =	task.clear_ibuf [dreg:s7], $0x2FFFF;
	_ =	strace $0x9FFFFFFF  }
0xc8: {  	(tm) =	ssettm $0x7FFFFFFF  }
0xc9: {  	_ =	shalt  }
tec
execute0_lowered:
.L_overlay_start_1:
0x0: {  	(tag) =	ssettag $0x1  }
0x1: {  	s3 =	rddreg [dreg:$0x0]  }
0x2: {  	s9 =	rddreg [dreg:$0x1];
	s1 =	stileid.u32  }
0x3: {  	s0 =	rddreg [dreg:$0x2];
	s4 =	srdreg.scid;
	s2 =	simm.s32 $0x0  }
0x4: {  	s5 =	sshll.u32 s1, $0x1;
	s4 =	sand.u32 $0x1, s4;
	s6 =	sshrl.u32 s1, $0x1  }
0x5: {  	[smem:$0x7FF] =	sst s2;
	s8 =	sadd.s32 $0x1A00, s3;
	s10 =	smul.u32 $0xC00, s6  }
0x6: {  	s5 =	sand.u32 $0x2, s5;
	s22 =	sshll.u32 s6, $0x9;
	s11 =	smul.u32 $0x600, s6  }
0x7: {  	s6 =	smul.u32 $0x3, s6;
	s5 =	sor.u32 s4, s5;
	s4 =	ssub.s32 $0x2, s4  }
0x8: {  	_ =	strace $0x80000047;
	s7 =	sshll.u32 s5, $0x7;
	s23 =	sshrl.u32 s4, $0x1  }
0x9: {  	s25 =	sadd.s32 $0x1, s6;
	s13 =	sadd.s32 $0x2, s6;
	s5 =	sor.u32 s22, s7  }
0xa: {  	s12 =	ssub.s32 s4, s23;
	s24 =	sor.u32 s11, s7;
	s4 =	sadd.s32 s8, s10  }
0xb: {  	s26 =	sshll.u32 s25, $0x9;
	s28 =	sshll.u32 s25, $0xA;
	s30 =	sshll.u32 s13, $0x9  }
0xc: {  	s31 =	sshll.u32 s13, $0xA;
	s13 =	simm.s32 $0x2080;
	s5 =	sshrl.u32 s5, $0x3  }
0xd: {  	s29 =	sor.u32 s7, s26;
	s6 =	sadd.s32 s8, s28;
	s11 =	sor.u32 s7, s30  }
0xe: {  	s8 =	sadd.s32 s8, s31;
	s3 =	sadd.s32 s5, s3;
	s5 =	sshrl.u32 s24, $0x3  }
0xf: {  	s10 =	sshrl.u32 s29, $0x3;
	s11 =	sshrl.u32 s11, $0x3;
	s3 =	sadd.s32 $0x7A00, s3  }
0x10: {  	s5 =	sadd.s32 s9, s5;
	s7 =	sadd.s32 s9, s10;
	s9 =	sadd.s32 s9, s11  }
0x11: {  	s10 =	smax.u32 s12, $0x1;
	s11 =	simm.s32 $0x2000;
	s12 =	simm.s32 $0x1  }
.LBB2_1:
0x12: {  	[tilespmem:s11], [sflag:$0x1] =	stream.linear.gather [hbm4b:s3+s2], $0x80, $0x38;
	[tilespmem:$0x2100] =	vst v63  }
0x13: {  	_ =	swait.ge [sflag:s12], $0x80  }
0x14: {  	[sflag:s12] =	ssyncset.done $0x0  }
0x15: {  	[sflag:s12] =	ssyncadd.s32 $0xFFFFFF80  }
0x16: {  	[tilespmem:s2], [sflag:$0x1] =	stream.linear.gather [hbm4b:s4+s2], $0x2000, $0x38;
	[tilespmem:$0x2100] =	vst v63  }
0x17: {  	_ =	swait.ge [sflag:s12], $0x2000  }
0x18: {  	[sflag:s12] =	ssyncset.done $0x0  }
0x19: {  	[sflag:s12] =	ssyncadd.s32 $0xFFFFE000  }
0x1a: {  	v0 =	vld [tilespmem:$0x2000];
	_ =	sdelay $0x5  }
0x1b: {  	v1 =	vld [tilespmem:$0x2010];
	_ =	sdelay $0x1  }
0x1c: {  	v0 =	vld.idx.msk [tilespmem:v0+s2+$0x0], $0xffff;
	_ =	sdelay $0x3  }
0x1d: {  	v2 =	vld [tilespmem:$0x2020]  }
0x1e: {  	[tilespmem:$0x2080] =	vst v0  }
0x1f: {  	v0 =	vld.idx.msk [tilespmem:v1+s2+$0x0], $0xffff;
	_ =	sdelay $0x3  }
0x20: {  	v43 =	vld [tilespmem:$0x2030]  }
0x21: {  	[tilespmem:$0x2090] =	vst v0  }
0x22: {  	v0 =	vld.idx.msk [tilespmem:v2+s2+$0x0], $0xffff;
	_ =	sdelay $0x3  }
0x23: {  	v44 =	vld [tilespmem:$0x2040]  }
0x24: {  	[tilespmem:$0x20A0] =	vst v0  }
0x25: {  	v0 =	vld.idx.msk [tilespmem:v43+s2+$0x0], $0xffff;
	_ =	sdelay $0x3  }
0x26: {  	v45 =	vld [tilespmem:$0x2050]  }
0x27: {  	[tilespmem:$0x20B0] =	vst v0  }
0x28: {  	v0 =	vld.idx.msk [tilespmem:v44+s2+$0x0], $0xffff;
	_ =	sdelay $0x3  }
0x29: {  	v46 =	vld [tilespmem:$0x2060]  }
0x2a: {  	[tilespmem:$0x20C0] =	vst v0  }
0x2b: {  	v0 =	vld.idx.msk [tilespmem:v45+s2+$0x0], $0xffff;
	_ =	sdelay $0x3  }
0x2c: {  	v47 =	vld [tilespmem:$0x2070]  }
0x2d: {  	[tilespmem:$0x20D0] =	vst v0  }
0x2e: {  	v0 =	vld.idx.msk [tilespmem:v46+s2+$0x0], $0xffff;
	_ =	sdelay $0x4  }
0x2f: {  	[tilespmem:$0x20E0] =	vst v0  }
0x30: {  	v0 =	vld.idx.msk [tilespmem:v47+s2+$0x0], $0xffff;
	_ =	sdelay $0x4  }
0x31: {  	[tilespmem:$0x20F0] =	vst v0  }
0x32: {  	[hbm4b:s5+s2] =	stream.linear.scatter [tilespmem:s13], [sflag:$0x1], $0x80, $0x38;
	[tilespmem:$0x2100] =	vst v63  }
0x33: {  	_ =	swait.ge [sflag:s12], $0x80  }
0x34: {  	[sflag:s12] =	ssyncset.done $0x0  }
0x35: {  	[sflag:s12] =	ssyncadd.s32 $0xFFFFFF80  }
0x36: {  	[tilespmem:s2], [sflag:$0x1] =	stream.linear.gather [hbm4b:s6+s2], $0x2000, $0x38;
	[tilespmem:$0x2100] =	vst v63  }
0x37: {  	_ =	swait.ge [sflag:s12], $0x2000  }
0x38: {  	[sflag:s12] =	ssyncset.done $0x0  }
0x39: {  	[sflag:s12] =	ssyncadd.s32 $0xFFFFE000  }
0x3a: {  	v48 =	vld [tilespmem:$0x2000];
	_ =	sdelay $0x5  }
0x3b: {  	v49 =	vld [tilespmem:$0x2010];
	_ =	sdelay $0x1  }
0x3c: {  	v0 =	vld.idx.msk [tilespmem:v48+s2+$0x0], $0xffff;
	_ =	sdelay $0x3  }
0x3d: {  	v50 =	vld [tilespmem:$0x2020]  }
0x3e: {  	[tilespmem:$0x2080] =	vst v0  }
0x3f: {  	v0 =	vld.idx.msk [tilespmem:v49+s2+$0x0], $0xffff;
	_ =	sdelay $0x3  }
0x40: {  	v51 =	vld [tilespmem:$0x2030]  }
0x41: {  	[tilespmem:$0x2090] =	vst v0  }
0x42: {  	v0 =	vld.idx.msk [tilespmem:v50+s2+$0x0], $0xffff;
	_ =	sdelay $0x3  }
0x43: {  	v52 =	vld [tilespmem:$0x2040]  }
0x44: {  	[tilespmem:$0x20A0] =	vst v0  }
0x45: {  	v0 =	vld.idx.msk [tilespmem:v51+s2+$0x0], $0xffff;
	_ =	sdelay $0x3  }
0x46: {  	v53 =	vld [tilespmem:$0x2050]  }
0x47: {  	[tilespmem:$0x20B0] =	vst v0  }
0x48: {  	v0 =	vld.idx.msk [tilespmem:v52+s2+$0x0], $0xffff;
	_ =	sdelay $0x3  }
0x49: {  	v54 =	vld [tilespmem:$0x2060]  }
0x4a: {  	[tilespmem:$0x20C0] =	vst v0  }
0x4b: {  	v0 =	vld.idx.msk [tilespmem:v53+s2+$0x0], $0xffff;
	_ =	sdelay $0x3  }
0x4c: {  	v55 =	vld [tilespmem:$0x2070]  }
0x4d: {  	[tilespmem:$0x20D0] =	vst v0  }
0x4e: {  	v0 =	vld.idx.msk [tilespmem:v54+s2+$0x0], $0xffff;
	_ =	sdelay $0x4  }
0x4f: {  	[tilespmem:$0x20E0] =	vst v0  }
0x50: {  	v0 =	vld.idx.msk [tilespmem:v55+s2+$0x0], $0xffff;
	_ =	sdelay $0x4  }
0x51: {  	[tilespmem:$0x20F0] =	vst v0  }
0x52: {  	[hbm4b:s7+s2] =	stream.linear.scatter [tilespmem:s13], [sflag:$0x1], $0x80, $0x38;
	[tilespmem:$0x2100] =	vst v63  }
0x53: {  	_ =	swait.ge [sflag:s12], $0x80  }
0x54: {  	[sflag:s12] =	ssyncset.done $0x0  }
0x55: {  	[sflag:s12] =	ssyncadd.s32 $0xFFFFFF80  }
0x56: {  	[tilespmem:s2], [sflag:$0x1] =	stream.linear.gather [hbm4b:s8+s2], $0x2000, $0x38;
	[tilespmem:$0x2100] =	vst v63  }
0x57: {  	_ =	swait.ge [sflag:s12], $0x2000  }
0x58: {  	[sflag:s12] =	ssyncset.done $0x0  }
0x59: {  	[sflag:s12] =	ssyncadd.s32 $0xFFFFE000  }
0x5a: {  	v56 =	vld [tilespmem:$0x2000];
	_ =	sdelay $0x5  }
0x5b: {  	v57 =	vld [tilespmem:$0x2010];
	_ =	sdelay $0x1  }
0x5c: {  	v0 =	vld.idx.msk [tilespmem:v56+s2+$0x0], $0xffff;
	_ =	sdelay $0x3  }
0x5d: {  	v58 =	vld [tilespmem:$0x2020]  }
0x5e: {  	[tilespmem:$0x2080] =	vst v0  }
0x5f: {  	v0 =	vld.idx.msk [tilespmem:v57+s2+$0x0], $0xffff;
	_ =	sdelay $0x3  }
0x60: {  	v59 =	vld [tilespmem:$0x2030]  }
0x61: {  	[tilespmem:$0x2090] =	vst v0  }
0x62: {  	v0 =	vld.idx.msk [tilespmem:v58+s2+$0x0], $0xffff;
	_ =	sdelay $0x3  }
0x63: {  	v60 =	vld [tilespmem:$0x2040]  }
0x64: {  	[tilespmem:$0x20A0] =	vst v0  }
0x65: {  	v0 =	vld.idx.msk [tilespmem:v59+s2+$0x0], $0xffff;
	_ =	sdelay $0x3  }
0x66: {  	v61 =	vld [tilespmem:$0x2050]  }
0x67: {  	[tilespmem:$0x20B0] =	vst v0  }
0x68: {  	v0 =	vld.idx.msk [tilespmem:v60+s2+$0x0], $0xffff;
	_ =	sdelay $0x3  }
0x69: {  	v62 =	vld [tilespmem:$0x2060]  }
0x6a: {  	[tilespmem:$0x20C0] =	vst v0  }
0x6b: {  	v0 =	vld.idx.msk [tilespmem:v61+s2+$0x0], $0xffff;
	_ =	sdelay $0x3  }
0x6c: {  	v63 =	vld [tilespmem:$0x2070]  }
0x6d: {  	[tilespmem:$0x20D0] =	vst v0  }
0x6e: {  	v0 =	vld.idx.msk [tilespmem:v62+s2+$0x0], $0xffff;
	_ =	sdelay $0x4  }
0x6f: {  	[tilespmem:$0x20E0] =	vst v0  }
0x70: {  	v0 =	vld.idx.msk [tilespmem:v63+s2+$0x0], $0xffff;
	_ =	sdelay $0x3  }
0x71: {  	p0 =	sne.s32 s10, $0x1  }
.Ltmp0:
0x72: {  	[tilespmem:$0x20F0] =	vst v0;
	(pc) =	sbr.rel @p0 .LBB2_1-.Ltmp0, $4  }
0x73: {  	[hbm4b:s9+s2] =	stream.linear.scatter [tilespmem:s13], [sflag:$0x1], $0x80, $0x38;
	[tilespmem:$0x2100] =	vst v63  }
0x74: {  	_ =	swait.ge [sflag:s12], $0x80  }
0x75: {  	[sflag:s12] =	ssyncset.done $0x0  }
0x76: {  	s10 =	sadd.s32 $0xFFFFFFFF, s10;
	[sflag:s12] =	ssyncadd.s32 $0xFFFFFF80  }
0x77: {  	_ =	sfence.sel $0x180000  }
0x78: {  	[bflag:$0x0] =	sbarrier.arrive $0xFFFF  }
0x79: {  	p0 =	sne.s32 s1, $0x0;
	_ =	strace $0x90000047  }
0x7a: {  	s0 =	sadd.s32 @!p0 $0x100000, s0;
	[bflag:$0x2] =	sbarrier.arrive $0xFFFF  }
0x7b: {  	[sflag:s0] =	ssyncadd.tile.s32 @!p0 $0x1;
	_ =	shalt  }
.Lfunc_end2:
_tile_overlayer_lowered:
.L_overlay_start_2:
0x7c: {  	(tag) =	ssettag $0x2  }
0x7d: {  	s0 =	rddreg [dreg:$0x0];
	s2 =	stileid.u32  }
0x7e: {  	s1 =	rddreg [dreg:$0x1];
	p0 =	sne.s32 s2, $0x0  }
0x7f: {  	s3 =	rddreg [dreg:$0x2];
	[bflag:$0x3] =	sbarrier.arrive $0xFFFF;
	s2 =	simm.s32 @!p0 $0x1C01  }
0x80: {  	[timem:s3], [sflag:s2] =	dma.local @!p0 [hbm:s0], s1  }
0x81: {  	s0 =	simm.s32 @!p0 $0x1  }
0x82: {  	_ =	swait.ge @!p0 [sflag:s0], s1  }
0x83: {  	s1 =	ssub.s32 @!p0 $0x0, s1;
	[sflag:s0] =	ssyncset.done @!p0 $0x0  }
0x84: {  	[sflag:s0] =	ssyncadd.s32 @!p0 s1  }
0x85: {  	[bflag:$0x3] =	sbarrier.arrive $0xFFFF  }
0x86: {  	_ =	shalt  }

</sc_bundles>
